<compile_context>
chip_gen: v7x
topology: tpu7x:2x2x1
jax: 0.10.2.dev20260603
libtpu: 0.0.44.dev20260713+nightly
codegen_flags: <defaults>
</compile_context>

<pallas_src>
import functools

import numpy as np
import jax
import jax.numpy as jnp
from jax import lax
from jax.experimental import pallas as pl
from jax.experimental.pallas import tpu as pltpu
from jax.experimental.pallas import tpu_sc as plsc

_MAX_LEN = 1024
_EMBED = 64

_NUM_CORES = 2
_NUM_SUBCORES = 16
_NUM_WORKERS = _NUM_CORES * _NUM_SUBCORES
_CHUNK = 100


def _pos_embedding(max_len, embed_size):
    position = np.arange(0, max_len, dtype=np.float32)[:, None]
    _2i = np.arange(0, embed_size, 2, dtype=np.float32)[None, :]
    emb = np.zeros((max_len, embed_size), dtype=np.float32)
    emb[:, 0::2] = np.sin(position / 10000 ** (_2i / embed_size))
    emb[:, 1::2] = np.cos(position / 10000 ** (_2i / embed_size))
    return emb


_POS_EMB = _pos_embedding(_MAX_LEN, _EMBED)


@functools.partial(jax.jit, static_argnames=("seq", "chunks_per_worker"))
def _embed_lookup(tok_chunks, table, pos, *, seq, chunks_per_worker):
    n_chunks, chunk = tok_chunks.shape
    embed = table.shape[1]
    n_rows = n_chunks * chunk
    per_seq = seq // chunk

    seqs_per_worker = chunks_per_worker // per_seq
    half_pairs = seqs_per_worker // 2

    def body(tok_hbm, table_hbm, pos_hbm, out_hbm, idx_v, pos_v, rows_v,
             sem_a, sem_b, osem):
        wid = lax.axis_index("s") * _NUM_CORES + lax.axis_index("c")
        base_chunk = wid * chunks_per_worker
        sems = (sem_a, sem_b)
        pltpu.sync_copy(pos_hbm, pos_v)
        pltpu.sync_copy(tok_hbm.at[pl.ds(base_chunk, chunks_per_worker)], idx_v)

        def issue(q, slot):
            for half in range(per_seq):
                pltpu.async_copy(
                    table_hbm.at[idx_v.at[q * per_seq + half]],
                    rows_v.at[slot, pl.ds(half * chunk, chunk)],
                    sems[slot],
                )

        def drain(q, slot):
            for half in range(per_seq):
                pltpu.make_async_copy(
                    table_hbm.at[idx_v.at[q * per_seq + half]],
                    rows_v.at[slot, pl.ds(half * chunk, chunk)],
                    sems[slot],
                ).wait()

        def process(q, slot):
            def row_body(r, c2):
                for c in range(embed // 16):
                    plsc.addupdate(
                        rows_v.at[slot, r, pl.ds(c * 16, 16)],
                        pos_v[r, pl.ds(c * 16, 16)],
                    )
                return c2

            lax.fori_loop(0, seq, row_body, 0)
            pltpu.async_copy(
                rows_v.at[slot],
                out_hbm.at[pl.ds((wid * seqs_per_worker + q) * seq, seq)],
                osem,
            ).wait()

        issue(0, 0)

        def pair_body(t, carry):
            q0 = 2 * t
            issue(q0 + 1, 1)
            drain(q0, 0)
            process(q0, 0)

            @pl.when(q0 + 2 < seqs_per_worker)
            def _():
                issue(q0 + 2, 0)

            drain(q0 + 1, 1)
            process(q0 + 1, 1)
            return carry

        lax.fori_loop(0, half_pairs, pair_body, 0)

    mesh = plsc.VectorSubcoreMesh(
        core_axis_name="c",
        subcore_axis_name="s",
        num_cores=_NUM_CORES,
        num_subcores=_NUM_SUBCORES,
    )
    fn = pl.kernel(
        body,
        out_type=jax.ShapeDtypeStruct((n_rows, embed), jnp.float32),
        mesh=mesh,
        compiler_params=pltpu.CompilerParams(use_tc_tiling_on_sc=False),
        scratch_types=[
            pltpu.VMEM((chunks_per_worker, chunk), jnp.int32),
            pltpu.VMEM((seq, embed), jnp.float32),
            pltpu.VMEM((2, seq, embed), jnp.float32),
            pltpu.SemaphoreType.DMA,
            pltpu.SemaphoreType.DMA,
            pltpu.SemaphoreType.DMA,
        ],
    )
    return fn(tok_chunks, table, pos)


def kernel(tokens_ids, table):
    b, s = tokens_ids.shape
    embed = table.shape[1]
    pos = jnp.asarray(_POS_EMB[:s, :])
    n_rows = b * s
    assert n_rows % (_NUM_WORKERS * _CHUNK) == 0 and s % _CHUNK == 0
    tok_chunks = tokens_ids.astype(jnp.int32).reshape(n_rows // _CHUNK, _CHUNK)
    out = _embed_lookup(
        tok_chunks,
        table,
        pos,
        seq=s,
        chunks_per_worker=n_rows // (_CHUNK * _NUM_WORKERS),
    )
    return out.reshape(b, s, embed)

# --- scband reference (transcript-rebuilt; emitter-appended) ---
"""Pipeline reference for scband-transformer-embedding-39883066311027 (READ-ONLY COPY).

The authoritative reference and input builder live on the scoring server;
editing this copy changes nothing except your own understanding.
"""

import jax, jax.numpy as jnp
import numpy as np

VOCAB = 1000000
EMBED = 64
MAX_LEN = 1024
BATCH = 1024
SEQ = 200


def _pos_embedding(max_len, embed_size):
    position = np.arange(0, max_len, dtype=np.float32)[:, None]
    _2i = np.arange(0, embed_size, 2, dtype=np.float32)[None, :]
    emb = np.zeros((max_len, embed_size), dtype=np.float32)
    emb[:, 0::2] = np.sin(position / 10000 ** (_2i / embed_size))
    emb[:, 1::2] = np.cos(position / 10000 ** (_2i / embed_size))
    return jnp.asarray(emb)


_POS_EMB = _pos_embedding(MAX_LEN, EMBED)


def setup_inputs(seed: int = 0) -> dict:
    key = jax.random.key(seed)
    k1, k2 = jax.random.split(key)
    tokens_ids = jax.random.randint(k1, (BATCH, SEQ), 0, VOCAB, dtype=jnp.int64 if jax.config.jax_enable_x64 else jnp.int32)
    table = jax.random.normal(k2, (VOCAB, EMBED), dtype=jnp.float32)
    return {"tokens_ids": tokens_ids, "table": table}


def reference(tokens_ids, table):
    B, S = tokens_ids.shape
    tok = jnp.take(table, tokens_ids, axis=0)  # [B, S, E]
    pos = _POS_EMB[:S, :][None, :, :]  # [1, S, E], non-trainable buffer
    return tok + jnp.broadcast_to(pos, tok.shape)

if __name__ == "__main__":
    import jax
    _d = setup_inputs()
    print(jax.jit(kernel)(*tuple(_d.values())))

</pallas_src>

<mosaic_0001>
#map = affine_map<(d0, d1) -> (0, 0)>
module attributes {stable_mosaic.version = 14 : i64} {
  func.func @body(%arg0: i32, %arg1: i32, %arg2: memref<2048x100xi32, #tpu.memory_space<hbm>>, %arg3: memref<1000000x64xf32, #tpu.memory_space<hbm>>, %arg4: memref<200x64xf32, #tpu.memory_space<hbm>>, %arg5: memref<204800x64xf32, #tpu.memory_space<hbm>>, %arg6: memref<64x100xi32, #tpu.memory_space<vmem>>, %arg7: memref<200x64xf32, #tpu.memory_space<vmem>>, %arg8: memref<2x200x64xf32, #tpu.memory_space<vmem>>, %arg9: memref<!tpu.dma_semaphore, #tpu.memory_space<semaphore_mem>>, %arg10: memref<!tpu.dma_semaphore, #tpu.memory_space<semaphore_mem>>, %arg11: memref<!tpu.dma_semaphore, #tpu.memory_space<semaphore_mem>>) attributes {dimension_semantics = [#tpu.dimension_semantics<core_parallel>, #tpu.dimension_semantics<subcore_parallel>], iteration_bounds = array<i64: 2, 16>, scalar_prefetch = 0 : i64, scratch_operands = 6 : i64, tpu.core_type = #tpu.core_type<sc_vector_subcore>, window_params = [{transform_indices = #map}, {transform_indices = #map}, {transform_indices = #map}, {transform_indices = #map}]} {
    %mul3A = arith.constant 2 : i32
    %mul3A_0 = arith.muli %arg1, %mul3A : i32
    %add3A = arith.addi %mul3A_0, %arg0 : i32
    %mul3A_1 = arith.constant 64 : i32
    %mul3A_2 = arith.muli %add3A, %mul3A_1 : i32
    "tpu.region"() ({
      %run_scoped3A = tpu.sem_alloc : memref<!tpu.dma_semaphore, #tpu.memory_space<semaphore_mem>>
      tpu.enqueue_dma source(%arg4 : memref<200x64xf32, #tpu.memory_space<hbm>>) target(%arg7 : memref<200x64xf32, #tpu.memory_space<vmem>>) target_semaphore(%run_scoped3A : memref<!tpu.dma_semaphore, #tpu.memory_space<semaphore_mem>>)
      tpu.wait_dma2 semaphore(%run_scoped3A : memref<!tpu.dma_semaphore, #tpu.memory_space<semaphore_mem>>) src(%arg4 : memref<200x64xf32, #tpu.memory_space<hbm>>) dst(%arg7 : memref<200x64xf32, #tpu.memory_space<vmem>>)
      tpu.yield
    }) : () -> ()
    "tpu.region"() ({
      %run_scoped3A = tpu.sem_alloc : memref<!tpu.dma_semaphore, #tpu.memory_space<semaphore_mem>>
      %dma_start3A_31 = arith.constant 0 : i32
      %dma_start3A_32 = tpu.memref_slice %arg2[%mul3A_2, %dma_start3A_31] : memref<2048x100xi32, #tpu.memory_space<hbm>> -> memref<64x100xi32, #tpu.memory_space<hbm>>
      %dma_start3A_33 = arith.constant 0 : i32
      %dma_start3A_34 = tpu.memref_slice %arg2[%mul3A_2, %dma_start3A_33] : memref<2048x100xi32, #tpu.memory_space<hbm>> -> memref<64x100xi32, #tpu.memory_space<hbm>>
      tpu.enqueue_dma source(%dma_start3A_34 : memref<64x100xi32, #tpu.memory_space<hbm>>) target(%arg6 : memref<64x100xi32, #tpu.memory_space<vmem>>) target_semaphore(%run_scoped3A : memref<!tpu.dma_semaphore, #tpu.memory_space<semaphore_mem>>)
      %dma_wait3A = arith.constant 0 : i32
      %dma_wait3A_35 = tpu.memref_slice %arg2[%mul3A_2, %dma_wait3A] : memref<2048x100xi32, #tpu.memory_space<hbm>> -> memref<64x100xi32, #tpu.memory_space<hbm>>
      %dma_wait3A_36 = arith.constant 0 : i32
      %dma_wait3A_37 = tpu.memref_slice %arg2[%mul3A_2, %dma_wait3A_36] : memref<2048x100xi32, #tpu.memory_space<hbm>> -> memref<64x100xi32, #tpu.memory_space<hbm>>
      tpu.wait_dma2 semaphore(%run_scoped3A : memref<!tpu.dma_semaphore, #tpu.memory_space<semaphore_mem>>) src(%dma_wait3A_37 : memref<64x100xi32, #tpu.memory_space<hbm>>) dst(%arg6 : memref<64x100xi32, #tpu.memory_space<vmem>>)
      tpu.yield
    }) : () -> ()
    %dma_start3A = arith.constant 0 : i32
    %dma_start3A_3 = arith.constant 0 : i32
    %dma_start3A_4 = arith.constant 0 : i32
    %dma_start3A_5 = arith.constant 0 : i32
    %dma_start3A_6 = tpu.memref_slice %arg8[%dma_start3A_3, %dma_start3A_4, %dma_start3A_5] : memref<2x200x64xf32, #tpu.memory_space<vmem>> -> memref<1x100x64xf32, #tpu.memory_space<vmem>>
    %dma_start3A_7 = tpu.memref_squeeze %dma_start3A_6 : memref<1x100x64xf32, #tpu.memory_space<vmem>> -> memref<100x64xf32, #tpu.memory_space<vmem>>
    %dma_start3A_8 = arith.constant 0 : i32
    %dma_start3A_9 = tpu.memref_slice %arg6[%dma_start3A, %dma_start3A_8] : memref<64x100xi32, #tpu.memory_space<vmem>> -> memref<1x100xi32, #tpu.memory_space<vmem>>
    %dma_start3A_10 = tpu.memref_squeeze %dma_start3A_9 : memref<1x100xi32, #tpu.memory_space<vmem>> -> memref<100xi32, #tpu.memory_space<vmem>>
    %dma_start3A_11 = arith.constant 0 : i32
    %dma_start3A_12 = arith.constant 0 : i32
    %dma_start3A_13 = tpu.memref_slice %arg3[%dma_start3A_11, %dma_start3A_12] : memref<1000000x64xf32, #tpu.memory_space<hbm>> -> memref<1000000x64xf32, #tpu.memory_space<hbm>>
    tpu.enqueue_indirect_dma source(%dma_start3A_13 : memref<1000000x64xf32, #tpu.memory_space<hbm>>) target(%dma_start3A_7 : memref<100x64xf32, #tpu.memory_space<vmem>>) offsets(%dma_start3A_10 : memref<100xi32, #tpu.memory_space<vmem>>) semaphore(%arg9 : memref<!tpu.dma_semaphore, #tpu.memory_space<semaphore_mem>>)
    %dma_start3A_14 = arith.constant 1 : i32
    %dma_start3A_15 = arith.constant 0 : i32
    %dma_start3A_16 = arith.constant 100 : i32
    %dma_start3A_17 = arith.constant 0 : i32
    %dma_start3A_18 = tpu.memref_slice %arg8[%dma_start3A_15, %dma_start3A_16, %dma_start3A_17] : memref<2x200x64xf32, #tpu.memory_space<vmem>> -> memref<1x100x64xf32, #tpu.memory_space<vmem>>
    %dma_start3A_19 = tpu.memref_squeeze %dma_start3A_18 : memref<1x100x64xf32, #tpu.memory_space<vmem>> -> memref<100x64xf32, #tpu.memory_space<vmem>>
    %dma_start3A_20 = arith.constant 0 : i32
    %dma_start3A_21 = tpu.memref_slice %arg6[%dma_start3A_14, %dma_start3A_20] : memref<64x100xi32, #tpu.memory_space<vmem>> -> memref<1x100xi32, #tpu.memory_space<vmem>>
    %dma_start3A_22 = tpu.memref_squeeze %dma_start3A_21 : memref<1x100xi32, #tpu.memory_space<vmem>> -> memref<100xi32, #tpu.memory_space<vmem>>
    %dma_start3A_23 = arith.constant 0 : i32
    %dma_start3A_24 = arith.constant 0 : i32
    %dma_start3A_25 = tpu.memref_slice %arg3[%dma_start3A_23, %dma_start3A_24] : memref<1000000x64xf32, #tpu.memory_space<hbm>> -> memref<1000000x64xf32, #tpu.memory_space<hbm>>
    tpu.enqueue_indirect_dma source(%dma_start3A_25 : memref<1000000x64xf32, #tpu.memory_space<hbm>>) target(%dma_start3A_19 : memref<100x64xf32, #tpu.memory_space<vmem>>) offsets(%dma_start3A_22 : memref<100xi32, #tpu.memory_space<vmem>>) semaphore(%arg9 : memref<!tpu.dma_semaphore, #tpu.memory_space<semaphore_mem>>)
    %scan3A = arith.constant 0 : i32
    %scan3A_26 = arith.constant 0 : i32
    %scan3A_27 = arith.constant 16 : i32
    %scan3A_28 = arith.addi %scan3A_26, %scan3A_27 : i32
    %scan3A_29 = arith.constant 1 : i32
    scf.for %scan3A_31 = %scan3A_26 to %scan3A_28 step %scan3A_29  : i32 {
      %mul3A_32 = arith.constant 2 : i32
      %mul3A_33 = arith.muli %mul3A_32, %scan3A_31 : i32
      %add3A_34 = arith.constant 1 : i32
      %add3A_35 = arith.addi %mul3A_33, %add3A_34 : i32
      %mul3A_36 = arith.constant 2 : i32
      %mul3A_37 = arith.muli %add3A_35, %mul3A_36 : i32
      %add3A_38 = arith.constant 0 : i32
      %add3A_39 = arith.addi %mul3A_37, %add3A_38 : i32
      %dma_start3A_40 = arith.constant 1 : i32
      %dma_start3A_41 = arith.constant 0 : i32
      %dma_start3A_42 = arith.constant 0 : i32
      %dma_start3A_43 = tpu.memref_slice %arg8[%dma_start3A_40, %dma_start3A_41, %dma_start3A_42] : memref<2x200x64xf32, #tpu.memory_space<vmem>> -> memref<1x100x64xf32, #tpu.memory_space<vmem>>
      %dma_start3A_44 = tpu.memref_squeeze %dma_start3A_43 : memref<1x100x64xf32, #tpu.memory_space<vmem>> -> memref<100x64xf32, #tpu.memory_space<vmem>>
      %dma_start3A_45 = arith.constant 0 : i32
      %dma_start3A_46 = tpu.memref_slice %arg6[%add3A_39, %dma_start3A_45] : memref<64x100xi32, #tpu.memory_space<vmem>> -> memref<1x100xi32, #tpu.memory_space<vmem>>
      %dma_start3A_47 = tpu.memref_squeeze %dma_start3A_46 : memref<1x100xi32, #tpu.memory_space<vmem>> -> memref<100xi32, #tpu.memory_space<vmem>>
      %dma_start3A_48 = arith.constant 0 : i32
      %dma_start3A_49 = arith.constant 0 : i32
      %dma_start3A_50 = tpu.memref_slice %arg3[%dma_start3A_48, %dma_start3A_49] : memref<1000000x64xf32, #tpu.memory_space<hbm>> -> memref<1000000x64xf32, #tpu.memory_space<hbm>>
      tpu.enqueue_indirect_dma source(%dma_start3A_50 : memref<1000000x64xf32, #tpu.memory_space<hbm>>) target(%dma_start3A_44 : memref<100x64xf32, #tpu.memory_space<vmem>>) offsets(%dma_start3A_47 : memref<100xi32, #tpu.memory_space<vmem>>) semaphore(%arg10 : memref<!tpu.dma_semaphore, #tpu.memory_space<semaphore_mem>>)
      %mul3A_51 = arith.constant 2 : i32
      %mul3A_52 = arith.muli %add3A_35, %mul3A_51 : i32
      %add3A_53 = arith.constant 1 : i32
      %add3A_54 = arith.addi %mul3A_52, %add3A_53 : i32
      %dma_start3A_55 = arith.constant 1 : i32
      %dma_start3A_56 = arith.constant 100 : i32
      %dma_start3A_57 = arith.constant 0 : i32
      %dma_start3A_58 = tpu.memref_slice %arg8[%dma_start3A_55, %dma_start3A_56, %dma_start3A_57] : memref<2x200x64xf32, #tpu.memory_space<vmem>> -> memref<1x100x64xf32, #tpu.memory_space<vmem>>
      %dma_start3A_59 = tpu.memref_squeeze %dma_start3A_58 : memref<1x100x64xf32, #tpu.memory_space<vmem>> -> memref<100x64xf32, #tpu.memory_space<vmem>>
      %dma_start3A_60 = arith.constant 0 : i32
      %dma_start3A_61 = tpu.memref_slice %arg6[%add3A_54, %dma_start3A_60] : memref<64x100xi32, #tpu.memory_space<vmem>> -> memref<1x100xi32, #tpu.memory_space<vmem>>
      %dma_start3A_62 = tpu.memref_squeeze %dma_start3A_61 : memref<1x100xi32, #tpu.memory_space<vmem>> -> memref<100xi32, #tpu.memory_space<vmem>>
      %dma_start3A_63 = arith.constant 0 : i32
      %dma_start3A_64 = arith.constant 0 : i32
      %dma_start3A_65 = tpu.memref_slice %arg3[%dma_start3A_63, %dma_start3A_64] : memref<1000000x64xf32, #tpu.memory_space<hbm>> -> memref<1000000x64xf32, #tpu.memory_space<hbm>>
      tpu.enqueue_indirect_dma source(%dma_start3A_65 : memref<1000000x64xf32, #tpu.memory_space<hbm>>) target(%dma_start3A_59 : memref<100x64xf32, #tpu.memory_space<vmem>>) offsets(%dma_start3A_62 : memref<100xi32, #tpu.memory_space<vmem>>) semaphore(%arg10 : memref<!tpu.dma_semaphore, #tpu.memory_space<semaphore_mem>>)
      %mul3A_66 = arith.constant 2 : i32
      %mul3A_67 = arith.muli %mul3A_33, %mul3A_66 : i32
      %add3A_68 = arith.constant 0 : i32
      %add3A_69 = arith.addi %mul3A_67, %add3A_68 : i32
      %dma_wait3A = arith.constant 0 : i32
      %dma_wait3A_70 = arith.constant 0 : i32
      %dma_wait3A_71 = arith.constant 0 : i32
      %dma_wait3A_72 = tpu.memref_slice %arg8[%dma_wait3A, %dma_wait3A_70, %dma_wait3A_71] : memref<2x200x64xf32, #tpu.memory_space<vmem>> -> memref<1x100x64xf32, #tpu.memory_space<vmem>>
      %dma_wait3A_73 = tpu.memref_squeeze %dma_wait3A_72 : memref<1x100x64xf32, #tpu.memory_space<vmem>> -> memref<100x64xf32, #tpu.memory_space<vmem>>
      %dma_wait3A_74 = arith.constant 0 : i32
      %dma_wait3A_75 = tpu.memref_slice %arg6[%add3A_69, %dma_wait3A_74] : memref<64x100xi32, #tpu.memory_space<vmem>> -> memref<1x100xi32, #tpu.memory_space<vmem>>
      %dma_wait3A_76 = tpu.memref_squeeze %dma_wait3A_75 : memref<1x100xi32, #tpu.memory_space<vmem>> -> memref<100xi32, #tpu.memory_space<vmem>>
      %dma_wait3A_77 = arith.constant 0 : i32
      %dma_wait3A_78 = arith.constant 0 : i32
      %dma_wait3A_79 = tpu.memref_slice %arg3[%dma_wait3A_77, %dma_wait3A_78] : memref<1000000x64xf32, #tpu.memory_space<hbm>> -> memref<1000000x64xf32, #tpu.memory_space<hbm>>
      tpu.wait_indirect_dma semaphore(%arg9 : memref<!tpu.dma_semaphore, #tpu.memory_space<semaphore_mem>>) src(%dma_wait3A_79 : memref<1000000x64xf32, #tpu.memory_space<hbm>>) dst(%dma_wait3A_73 : memref<100x64xf32, #tpu.memory_space<vmem>>)
      %mul3A_80 = arith.constant 2 : i32
      %mul3A_81 = arith.muli %mul3A_33, %mul3A_80 : i32
      %add3A_82 = arith.constant 1 : i32
      %add3A_83 = arith.addi %mul3A_81, %add3A_82 : i32
      %dma_wait3A_84 = arith.constant 0 : i32
      %dma_wait3A_85 = arith.constant 100 : i32
      %dma_wait3A_86 = arith.constant 0 : i32
      %dma_wait3A_87 = tpu.memref_slice %arg8[%dma_wait3A_84, %dma_wait3A_85, %dma_wait3A_86] : memref<2x200x64xf32, #tpu.memory_space<vmem>> -> memref<1x100x64xf32, #tpu.memory_space<vmem>>
      %dma_wait3A_88 = tpu.memref_squeeze %dma_wait3A_87 : memref<1x100x64xf32, #tpu.memory_space<vmem>> -> memref<100x64xf32, #tpu.memory_space<vmem>>
      %dma_wait3A_89 = arith.constant 0 : i32
      %dma_wait3A_90 = tpu.memref_slice %arg6[%add3A_83, %dma_wait3A_89] : memref<64x100xi32, #tpu.memory_space<vmem>> -> memref<1x100xi32, #tpu.memory_space<vmem>>
      %dma_wait3A_91 = tpu.memref_squeeze %dma_wait3A_90 : memref<1x100xi32, #tpu.memory_space<vmem>> -> memref<100xi32, #tpu.memory_space<vmem>>
      %dma_wait3A_92 = arith.constant 0 : i32
      %dma_wait3A_93 = arith.constant 0 : i32
      %dma_wait3A_94 = tpu.memref_slice %arg3[%dma_wait3A_92, %dma_wait3A_93] : memref<1000000x64xf32, #tpu.memory_space<hbm>> -> memref<1000000x64xf32, #tpu.memory_space<hbm>>
      tpu.wait_indirect_dma semaphore(%arg9 : memref<!tpu.dma_semaphore, #tpu.memory_space<semaphore_mem>>) src(%dma_wait3A_94 : memref<1000000x64xf32, #tpu.memory_space<hbm>>) dst(%dma_wait3A_88 : memref<100x64xf32, #tpu.memory_space<vmem>>)
      %scan3A_95 = arith.constant 0 : i32
      %scan3A_96 = arith.constant 0 : i32
      %scan3A_97 = arith.constant 200 : i32
      %scan3A_98 = arith.addi %scan3A_96, %scan3A_97 : i32
      %scan3A_99 = arith.constant 1 : i32
      scf.for %scan3A_207 = %scan3A_96 to %scan3A_98 step %scan3A_99  : i32 {
        %get3A = arith.index_cast %scan3A_207 : i32 to index
        %get3A_208 = arith.constant 0 : index
        %get3A_209 = tpu.vector_load %arg7[%get3A, %get3A_208] {strides = array<i32>} : memref<200x64xf32, #tpu.memory_space<vmem>>, vector<1x16xf32>,
        %get3A_210 = vector.shape_cast %get3A_209 : vector<1x16xf32> to vector<16xf32>
        %swap3A = arith.constant 0 : i32
        %swap3A_211 = arith.index_cast %swap3A : i32 to index
        %swap3A_212 = arith.index_cast %scan3A_207 : i32 to index
        %swap3A_213 = arith.constant 0 : index
        %swap3A_214 = tpu.vector_load %arg8[%swap3A_211, %swap3A_212, %swap3A_213] {strides = array<i32>} : memref<2x200x64xf32, #tpu.memory_space<vmem>>, vector<1x1x16xf32>,
        %swap3A_215 = vector.shape_cast %swap3A_214 : vector<1x1x16xf32> to vector<16xf32>
        %swap3A_216 = vector.shape_cast %get3A_210 : vector<16xf32> to vector<1x1x16xf32>
        tpu.vector_store %arg8[%swap3A_211, %swap3A_212, %swap3A_213], %swap3A_216 {add = true, strides = array<i32>} : memref<2x200x64xf32, #tpu.memory_space<vmem>>, vector<1x1x16xf32>,
        %get3A_217 = arith.index_cast %scan3A_207 : i32 to index
        %get3A_218 = arith.constant 16 : index
        %get3A_219 = tpu.vector_load %arg7[%get3A_217, %get3A_218] {strides = array<i32>} : memref<200x64xf32, #tpu.memory_space<vmem>>, vector<1x16xf32>,
        %get3A_220 = vector.shape_cast %get3A_219 : vector<1x16xf32> to vector<16xf32>
        %swap3A_221 = arith.constant 0 : i32
        %swap3A_222 = arith.index_cast %swap3A_221 : i32 to index
        %swap3A_223 = arith.index_cast %scan3A_207 : i32 to index
        %swap3A_224 = arith.constant 16 : index
        %swap3A_225 = tpu.vector_load %arg8[%swap3A_222, %swap3A_223, %swap3A_224] {strides = array<i32>} : memref<2x200x64xf32, #tpu.memory_space<vmem>>, vector<1x1x16xf32>,
        %swap3A_226 = vector.shape_cast %swap3A_225 : vector<1x1x16xf32> to vector<16xf32>
        %swap3A_227 = vector.shape_cast %get3A_220 : vector<16xf32> to vector<1x1x16xf32>
        tpu.vector_store %arg8[%swap3A_222, %swap3A_223, %swap3A_224], %swap3A_227 {add = true, strides = array<i32>} : memref<2x200x64xf32, #tpu.memory_space<vmem>>, vector<1x1x16xf32>,
        %get3A_228 = arith.index_cast %scan3A_207 : i32 to index
        %get3A_229 = arith.constant 32 : index
        %get3A_230 = tpu.vector_load %arg7[%get3A_228, %get3A_229] {strides = array<i32>} : memref<200x64xf32, #tpu.memory_space<vmem>>, vector<1x16xf32>,
        %get3A_231 = vector.shape_cast %get3A_230 : vector<1x16xf32> to vector<16xf32>
        %swap3A_232 = arith.constant 0 : i32
        %swap3A_233 = arith.index_cast %swap3A_232 : i32 to index
        %swap3A_234 = arith.index_cast %scan3A_207 : i32 to index
        %swap3A_235 = arith.constant 32 : index
        %swap3A_236 = tpu.vector_load %arg8[%swap3A_233, %swap3A_234, %swap3A_235] {strides = array<i32>} : memref<2x200x64xf32, #tpu.memory_space<vmem>>, vector<1x1x16xf32>,
        %swap3A_237 = vector.shape_cast %swap3A_236 : vector<1x1x16xf32> to vector<16xf32>
        %swap3A_238 = vector.shape_cast %get3A_231 : vector<16xf32> to vector<1x1x16xf32>
        tpu.vector_store %arg8[%swap3A_233, %swap3A_234, %swap3A_235], %swap3A_238 {add = true, strides = array<i32>} : memref<2x200x64xf32, #tpu.memory_space<vmem>>, vector<1x1x16xf32>,
        %get3A_239 = arith.index_cast %scan3A_207 : i32 to index
        %get3A_240 = arith.constant 48 : index
        %get3A_241 = tpu.vector_load %arg7[%get3A_239, %get3A_240] {strides = array<i32>} : memref<200x64xf32, #tpu.memory_space<vmem>>, vector<1x16xf32>,
        %get3A_242 = vector.shape_cast %get3A_241 : vector<1x16xf32> to vector<16xf32>
        %swap3A_243 = arith.constant 0 : i32
        %swap3A_244 = arith.index_cast %swap3A_243 : i32 to index
        %swap3A_245 = arith.index_cast %scan3A_207 : i32 to index
        %swap3A_246 = arith.constant 48 : index
        %swap3A_247 = tpu.vector_load %arg8[%swap3A_244, %swap3A_245, %swap3A_246] {strides = array<i32>} : memref<2x200x64xf32, #tpu.memory_space<vmem>>, vector<1x1x16xf32>,
        %swap3A_248 = vector.shape_cast %swap3A_247 : vector<1x1x16xf32> to vector<16xf32>
        %swap3A_249 = vector.shape_cast %get3A_242 : vector<16xf32> to vector<1x1x16xf32>
        tpu.vector_store %arg8[%swap3A_244, %swap3A_245, %swap3A_246], %swap3A_249 {add = true, strides = array<i32>} : memref<2x200x64xf32, #tpu.memory_space<vmem>>, vector<1x1x16xf32>,
      }
      %scan3A_100 = arith.constant 200 : i32
      %mul3A_101 = arith.constant 32 : i32
      %mul3A_102 = arith.muli %add3A, %mul3A_101 : i32
      %add3A_103 = arith.addi %mul3A_102, %mul3A_33 : i32
      %mul3A_104 = arith.constant 200 : i32
      %mul3A_105 = arith.muli %add3A_103, %mul3A_104 : i32
      %dma_start3A_106 = arith.constant 0 : i32
      %dma_start3A_107 = arith.constant 0 : i32
      %dma_start3A_108 = arith.constant 0 : i32
      %dma_start3A_109 = tpu.memref_slice %arg8[%dma_start3A_106, %dma_start3A_107, %dma_start3A_108] : memref<2x200x64xf32, #tpu.memory_space<vmem>> -> memref<1x200x64xf32, #tpu.memory_space<vmem>>
      %dma_start3A_110 = tpu.memref_squeeze %dma_start3A_109 : memref<1x200x64xf32, #tpu.memory_space<vmem>> -> memref<200x64xf32, #tpu.memory_space<vmem>>
      %dma_start3A_111 = arith.constant 0 : i32
      %dma_start3A_112 = tpu.memref_slice %arg5[%mul3A_105, %dma_start3A_111] : memref<204800x64xf32, #tpu.memory_space<hbm>> -> memref<200x64xf32, #tpu.memory_space<hbm>>
      %dma_start3A_113 = arith.constant 0 : i32
      %dma_start3A_114 = tpu.memref_slice %arg5[%mul3A_105, %dma_start3A_113] : memref<204800x64xf32, #tpu.memory_space<hbm>> -> memref<200x64xf32, #tpu.memory_space<hbm>>
      %dma_start3A_115 = arith.constant 0 : i32
      %dma_start3A_116 = arith.constant 0 : i32
      %dma_start3A_117 = tpu.memref_slice %arg8[%dma_start3A_106, %dma_start3A_115, %dma_start3A_116] : memref<2x200x64xf32, #tpu.memory_space<vmem>> -> memref<1x200x64xf32, #tpu.memory_space<vmem>>
      %dma_start3A_118 = tpu.memref_squeeze %dma_start3A_117 : memref<1x200x64xf32, #tpu.memory_space<vmem>> -> memref<200x64xf32, #tpu.memory_space<vmem>>
      tpu.enqueue_dma source(%dma_start3A_118 : memref<200x64xf32, #tpu.memory_space<vmem>>) target(%dma_start3A_114 : memref<200x64xf32, #tpu.memory_space<hbm>>) target_semaphore(%arg11 : memref<!tpu.dma_semaphore, #tpu.memory_space<semaphore_mem>>)
      %dma_wait3A_119 = arith.constant 0 : i32
      %dma_wait3A_120 = arith.constant 0 : i32
      %dma_wait3A_121 = arith.constant 0 : i32
      %dma_wait3A_122 = tpu.memref_slice %arg8[%dma_wait3A_119, %dma_wait3A_120, %dma_wait3A_121] : memref<2x200x64xf32, #tpu.memory_space<vmem>> -> memref<1x200x64xf32, #tpu.memory_space<vmem>>
      %dma_wait3A_123 = tpu.memref_squeeze %dma_wait3A_122 : memref<1x200x64xf32, #tpu.memory_space<vmem>> -> memref<200x64xf32, #tpu.memory_space<vmem>>
      %dma_wait3A_124 = arith.constant 0 : i32
      %dma_wait3A_125 = tpu.memref_slice %arg5[%mul3A_105, %dma_wait3A_124] : memref<204800x64xf32, #tpu.memory_space<hbm>> -> memref<200x64xf32, #tpu.memory_space<hbm>>
      %dma_wait3A_126 = arith.constant 0 : i32
      %dma_wait3A_127 = tpu.memref_slice %arg5[%mul3A_105, %dma_wait3A_126] : memref<204800x64xf32, #tpu.memory_space<hbm>> -> memref<200x64xf32, #tpu.memory_space<hbm>>
      %dma_wait3A_128 = arith.constant 0 : i32
      %dma_wait3A_129 = arith.constant 0 : i32
      %dma_wait3A_130 = tpu.memref_slice %arg8[%dma_wait3A_119, %dma_wait3A_128, %dma_wait3A_129] : memref<2x200x64xf32, #tpu.memory_space<vmem>> -> memref<1x200x64xf32, #tpu.memory_space<vmem>>
      %dma_wait3A_131 = tpu.memref_squeeze %dma_wait3A_130 : memref<1x200x64xf32, #tpu.memory_space<vmem>> -> memref<200x64xf32, #tpu.memory_space<vmem>>
      tpu.wait_dma2 semaphore(%arg11 : memref<!tpu.dma_semaphore, #tpu.memory_space<semaphore_mem>>) src(%dma_wait3A_131 : memref<200x64xf32, #tpu.memory_space<vmem>>) dst(%dma_wait3A_127 : memref<200x64xf32, #tpu.memory_space<hbm>>)
      %add3A_132 = arith.constant 2 : i32
      %add3A_133 = arith.addi %mul3A_33, %add3A_132 : i32
      %lt3A = arith.constant 32 : i32
      %lt3A_134 = arith.cmpi slt, %add3A_133, %lt3A : i32
      %convert_element_type3A = arith.extui %lt3A_134 : i1 to i32
      %cond3A = arith.constant 0 : i32
      %cond3A_135 = arith.cmpi ne, %convert_element_type3A, %cond3A : i32
      scf.if %cond3A_135 {
        %add3A_207 = arith.constant 2 : i32
        %add3A_208 = arith.addi %mul3A_33, %add3A_207 : i32
        %mul3A_209 = arith.constant 2 : i32
        %mul3A_210 = arith.muli %add3A_208, %mul3A_209 : i32
        %add3A_211 = arith.constant 0 : i32
        %add3A_212 = arith.addi %mul3A_210, %add3A_211 : i32
        %dma_start3A_213 = arith.constant 0 : i32
        %dma_start3A_214 = arith.constant 0 : i32
        %dma_start3A_215 = arith.constant 0 : i32
        %dma_start3A_216 = tpu.memref_slice %arg8[%dma_start3A_213, %dma_start3A_214, %dma_start3A_215] : memref<2x200x64xf32, #tpu.memory_space<vmem>> -> memref<1x100x64xf32, #tpu.memory_space<vmem>>
        %dma_start3A_217 = tpu.memref_squeeze %dma_start3A_216 : memref<1x100x64xf32, #tpu.memory_space<vmem>> -> memref<100x64xf32, #tpu.memory_space<vmem>>
        %dma_start3A_218 = arith.constant 0 : i32
        %dma_start3A_219 = tpu.memref_slice %arg6[%add3A_212, %dma_start3A_218] : memref<64x100xi32, #tpu.memory_space<vmem>> -> memref<1x100xi32, #tpu.memory_space<vmem>>
        %dma_start3A_220 = tpu.memref_squeeze %dma_start3A_219 : memref<1x100xi32, #tpu.memory_space<vmem>> -> memref<100xi32, #tpu.memory_space<vmem>>
        %dma_start3A_221 = arith.constant 0 : i32
        %dma_start3A_222 = arith.constant 0 : i32
        %dma_start3A_223 = tpu.memref_slice %arg3[%dma_start3A_221, %dma_start3A_222] : memref<1000000x64xf32, #tpu.memory_space<hbm>> -> memref<1000000x64xf32, #tpu.memory_space<hbm>>
        tpu.enqueue_indirect_dma source(%dma_start3A_223 : memref<1000000x64xf32, #tpu.memory_space<hbm>>) target(%dma_start3A_217 : memref<100x64xf32, #tpu.memory_space<vmem>>) offsets(%dma_start3A_220 : memref<100xi32, #tpu.memory_space<vmem>>) semaphore(%arg9 : memref<!tpu.dma_semaphore, #tpu.memory_space<semaphore_mem>>)
        %mul3A_224 = arith.constant 2 : i32
        %mul3A_225 = arith.muli %add3A_208, %mul3A_224 : i32
        %add3A_226 = arith.constant 1 : i32
        %add3A_227 = arith.addi %mul3A_225, %add3A_226 : i32
        %dma_start3A_228 = arith.constant 0 : i32
        %dma_start3A_229 = arith.constant 100 : i32
        %dma_start3A_230 = arith.constant 0 : i32
        %dma_start3A_231 = tpu.memref_slice %arg8[%dma_start3A_228, %dma_start3A_229, %dma_start3A_230] : memref<2x200x64xf32, #tpu.memory_space<vmem>> -> memref<1x100x64xf32, #tpu.memory_space<vmem>>
        %dma_start3A_232 = tpu.memref_squeeze %dma_start3A_231 : memref<1x100x64xf32, #tpu.memory_space<vmem>> -> memref<100x64xf32, #tpu.memory_space<vmem>>
        %dma_start3A_233 = arith.constant 0 : i32
        %dma_start3A_234 = tpu.memref_slice %arg6[%add3A_227, %dma_start3A_233] : memref<64x100xi32, #tpu.memory_space<vmem>> -> memref<1x100xi32, #tpu.memory_space<vmem>>
        %dma_start3A_235 = tpu.memref_squeeze %dma_start3A_234 : memref<1x100xi32, #tpu.memory_space<vmem>> -> memref<100xi32, #tpu.memory_space<vmem>>
        %dma_start3A_236 = arith.constant 0 : i32
        %dma_start3A_237 = arith.constant 0 : i32
        %dma_start3A_238 = tpu.memref_slice %arg3[%dma_start3A_236, %dma_start3A_237] : memref<1000000x64xf32, #tpu.memory_space<hbm>> -> memref<1000000x64xf32, #tpu.memory_space<hbm>>
        tpu.enqueue_indirect_dma source(%dma_start3A_238 : memref<1000000x64xf32, #tpu.memory_space<hbm>>) target(%dma_start3A_232 : memref<100x64xf32, #tpu.memory_space<vmem>>) offsets(%dma_start3A_235 : memref<100xi32, #tpu.memory_space<vmem>>) semaphore(%arg9 : memref<!tpu.dma_semaphore, #tpu.memory_space<semaphore_mem>>)
      } else {
      }
      %add3A_136 = arith.constant 1 : i32
      %add3A_137 = arith.addi %mul3A_33, %add3A_136 : i32
      %mul3A_138 = arith.constant 2 : i32
      %mul3A_139 = arith.muli %add3A_137, %mul3A_138 : i32
      %add3A_140 = arith.constant 0 : i32
      %add3A_141 = arith.addi %mul3A_139, %add3A_140 : i32
      %dma_wait3A_142 = arith.constant 1 : i32
      %dma_wait3A_143 = arith.constant 0 : i32
      %dma_wait3A_144 = arith.constant 0 : i32
      %dma_wait3A_145 = tpu.memref_slice %arg8[%dma_wait3A_142, %dma_wait3A_143, %dma_wait3A_144] : memref<2x200x64xf32, #tpu.memory_space<vmem>> -> memref<1x100x64xf32, #tpu.memory_space<vmem>>
      %dma_wait3A_146 = tpu.memref_squeeze %dma_wait3A_145 : memref<1x100x64xf32, #tpu.memory_space<vmem>> -> memref<100x64xf32, #tpu.memory_space<vmem>>
      %dma_wait3A_147 = arith.constant 0 : i32
      %dma_wait3A_148 = tpu.memref_slice %arg6[%add3A_141, %dma_wait3A_147] : memref<64x100xi32, #tpu.memory_space<vmem>> -> memref<1x100xi32, #tpu.memory_space<vmem>>
      %dma_wait3A_149 = tpu.memref_squeeze %dma_wait3A_148 : memref<1x100xi32, #tpu.memory_space<vmem>> -> memref<100xi32, #tpu.memory_space<vmem>>
      %dma_wait3A_150 = arith.constant 0 : i32
      %dma_wait3A_151 = arith.constant 0 : i32
      %dma_wait3A_152 = tpu.memref_slice %arg3[%dma_wait3A_150, %dma_wait3A_151] : memref<1000000x64xf32, #tpu.memory_space<hbm>> -> memref<1000000x64xf32, #tpu.memory_space<hbm>>
      tpu.wait_indirect_dma semaphore(%arg10 : memref<!tpu.dma_semaphore, #tpu.memory_space<semaphore_mem>>) src(%dma_wait3A_152 : memref<1000000x64xf32, #tpu.memory_space<hbm>>) dst(%dma_wait3A_146 : memref<100x64xf32, #tpu.memory_space<vmem>>)
      %mul3A_153 = arith.constant 2 : i32
      %mul3A_154 = arith.muli %add3A_137, %mul3A_153 : i32
      %add3A_155 = arith.constant 1 : i32
      %add3A_156 = arith.addi %mul3A_154, %add3A_155 : i32
      %dma_wait3A_157 = arith.constant 1 : i32
      %dma_wait3A_158 = arith.constant 100 : i32
      %dma_wait3A_159 = arith.constant 0 : i32
      %dma_wait3A_160 = tpu.memref_slice %arg8[%dma_wait3A_157, %dma_wait3A_158, %dma_wait3A_159] : memref<2x200x64xf32, #tpu.memory_space<vmem>> -> memref<1x100x64xf32, #tpu.memory_space<vmem>>
      %dma_wait3A_161 = tpu.memref_squeeze %dma_wait3A_160 : memref<1x100x64xf32, #tpu.memory_space<vmem>> -> memref<100x64xf32, #tpu.memory_space<vmem>>
      %dma_wait3A_162 = arith.constant 0 : i32
      %dma_wait3A_163 = tpu.memref_slice %arg6[%add3A_156, %dma_wait3A_162] : memref<64x100xi32, #tpu.memory_space<vmem>> -> memref<1x100xi32, #tpu.memory_space<vmem>>
      %dma_wait3A_164 = tpu.memref_squeeze %dma_wait3A_163 : memref<1x100xi32, #tpu.memory_space<vmem>> -> memref<100xi32, #tpu.memory_space<vmem>>
      %dma_wait3A_165 = arith.constant 0 : i32
      %dma_wait3A_166 = arith.constant 0 : i32
      %dma_wait3A_167 = tpu.memref_slice %arg3[%dma_wait3A_165, %dma_wait3A_166] : memref<1000000x64xf32, #tpu.memory_space<hbm>> -> memref<1000000x64xf32, #tpu.memory_space<hbm>>
      tpu.wait_indirect_dma semaphore(%arg10 : memref<!tpu.dma_semaphore, #tpu.memory_space<semaphore_mem>>) src(%dma_wait3A_167 : memref<1000000x64xf32, #tpu.memory_space<hbm>>) dst(%dma_wait3A_161 : memref<100x64xf32, #tpu.memory_space<vmem>>)
      %add3A_168 = arith.constant 1 : i32
      %add3A_169 = arith.addi %mul3A_33, %add3A_168 : i32
      %scan3A_170 = arith.constant 0 : i32
      %scan3A_171 = arith.constant 0 : i32
      %scan3A_172 = arith.constant 200 : i32
      %scan3A_173 = arith.addi %scan3A_171, %scan3A_172 : i32
      %scan3A_174 = arith.constant 1 : i32
      scf.for %scan3A_207 = %scan3A_171 to %scan3A_173 step %scan3A_174  : i32 {
        %get3A = arith.index_cast %scan3A_207 : i32 to index
        %get3A_208 = arith.constant 0 : index
        %get3A_209 = tpu.vector_load %arg7[%get3A, %get3A_208] {strides = array<i32>} : memref<200x64xf32, #tpu.memory_space<vmem>>, vector<1x16xf32>,
        %get3A_210 = vector.shape_cast %get3A_209 : vector<1x16xf32> to vector<16xf32>
        %swap3A = arith.constant 1 : i32
        %swap3A_211 = arith.index_cast %swap3A : i32 to index
        %swap3A_212 = arith.index_cast %scan3A_207 : i32 to index
        %swap3A_213 = arith.constant 0 : index
        %swap3A_214 = tpu.vector_load %arg8[%swap3A_211, %swap3A_212, %swap3A_213] {strides = array<i32>} : memref<2x200x64xf32, #tpu.memory_space<vmem>>, vector<1x1x16xf32>,
        %swap3A_215 = vector.shape_cast %swap3A_214 : vector<1x1x16xf32> to vector<16xf32>
        %swap3A_216 = vector.shape_cast %get3A_210 : vector<16xf32> to vector<1x1x16xf32>
        tpu.vector_store %arg8[%swap3A_211, %swap3A_212, %swap3A_213], %swap3A_216 {add = true, strides = array<i32>} : memref<2x200x64xf32, #tpu.memory_space<vmem>>, vector<1x1x16xf32>,
        %get3A_217 = arith.index_cast %scan3A_207 : i32 to index
        %get3A_218 = arith.constant 16 : index
        %get3A_219 = tpu.vector_load %arg7[%get3A_217, %get3A_218] {strides = array<i32>} : memref<200x64xf32, #tpu.memory_space<vmem>>, vector<1x16xf32>,
        %get3A_220 = vector.shape_cast %get3A_219 : vector<1x16xf32> to vector<16xf32>
        %swap3A_221 = arith.constant 1 : i32
        %swap3A_222 = arith.index_cast %swap3A_221 : i32 to index
        %swap3A_223 = arith.index_cast %scan3A_207 : i32 to index
        %swap3A_224 = arith.constant 16 : index
        %swap3A_225 = tpu.vector_load %arg8[%swap3A_222, %swap3A_223, %swap3A_224] {strides = array<i32>} : memref<2x200x64xf32, #tpu.memory_space<vmem>>, vector<1x1x16xf32>,
        %swap3A_226 = vector.shape_cast %swap3A_225 : vector<1x1x16xf32> to vector<16xf32>
        %swap3A_227 = vector.shape_cast %get3A_220 : vector<16xf32> to vector<1x1x16xf32>
        tpu.vector_store %arg8[%swap3A_222, %swap3A_223, %swap3A_224], %swap3A_227 {add = true, strides = array<i32>} : memref<2x200x64xf32, #tpu.memory_space<vmem>>, vector<1x1x16xf32>,
        %get3A_228 = arith.index_cast %scan3A_207 : i32 to index
        %get3A_229 = arith.constant 32 : index
        %get3A_230 = tpu.vector_load %arg7[%get3A_228, %get3A_229] {strides = array<i32>} : memref<200x64xf32, #tpu.memory_space<vmem>>, vector<1x16xf32>,
        %get3A_231 = vector.shape_cast %get3A_230 : vector<1x16xf32> to vector<16xf32>
        %swap3A_232 = arith.constant 1 : i32
        %swap3A_233 = arith.index_cast %swap3A_232 : i32 to index
        %swap3A_234 = arith.index_cast %scan3A_207 : i32 to index
        %swap3A_235 = arith.constant 32 : index
        %swap3A_236 = tpu.vector_load %arg8[%swap3A_233, %swap3A_234, %swap3A_235] {strides = array<i32>} : memref<2x200x64xf32, #tpu.memory_space<vmem>>, vector<1x1x16xf32>,
        %swap3A_237 = vector.shape_cast %swap3A_236 : vector<1x1x16xf32> to vector<16xf32>
        %swap3A_238 = vector.shape_cast %get3A_231 : vector<16xf32> to vector<1x1x16xf32>
        tpu.vector_store %arg8[%swap3A_233, %swap3A_234, %swap3A_235], %swap3A_238 {add = true, strides = array<i32>} : memref<2x200x64xf32, #tpu.memory_space<vmem>>, vector<1x1x16xf32>,
        %get3A_239 = arith.index_cast %scan3A_207 : i32 to index
        %get3A_240 = arith.constant 48 : index
        %get3A_241 = tpu.vector_load %arg7[%get3A_239, %get3A_240] {strides = array<i32>} : memref<200x64xf32, #tpu.memory_space<vmem>>, vector<1x16xf32>,
        %get3A_242 = vector.shape_cast %get3A_241 : vector<1x16xf32> to vector<16xf32>
        %swap3A_243 = arith.constant 1 : i32
        %swap3A_244 = arith.index_cast %swap3A_243 : i32 to index
        %swap3A_245 = arith.index_cast %scan3A_207 : i32 to index
        %swap3A_246 = arith.constant 48 : index
        %swap3A_247 = tpu.vector_load %arg8[%swap3A_244, %swap3A_245, %swap3A_246] {strides = array<i32>} : memref<2x200x64xf32, #tpu.memory_space<vmem>>, vector<1x1x16xf32>,
        %swap3A_248 = vector.shape_cast %swap3A_247 : vector<1x1x16xf32> to vector<16xf32>
        %swap3A_249 = vector.shape_cast %get3A_242 : vector<16xf32> to vector<1x1x16xf32>
        tpu.vector_store %arg8[%swap3A_244, %swap3A_245, %swap3A_246], %swap3A_249 {add = true, strides = array<i32>} : memref<2x200x64xf32, #tpu.memory_space<vmem>>, vector<1x1x16xf32>,
      }
      %scan3A_175 = arith.constant 200 : i32
      %mul3A_176 = arith.constant 32 : i32
      %mul3A_177 = arith.muli %add3A, %mul3A_176 : i32
      %add3A_178 = arith.addi %mul3A_177, %add3A_169 : i32
      %mul3A_179 = arith.constant 200 : i32
      %mul3A_180 = arith.muli %add3A_178, %mul3A_179 : i32
      %dma_start3A_181 = arith.constant 1 : i32
      %dma_start3A_182 = arith.constant 0 : i32
      %dma_start3A_183 = arith.constant 0 : i32
      %dma_start3A_184 = tpu.memref_slice %arg8[%dma_start3A_181, %dma_start3A_182, %dma_start3A_183] : memref<2x200x64xf32, #tpu.memory_space<vmem>> -> memref<1x200x64xf32, #tpu.memory_space<vmem>>
      %dma_start3A_185 = tpu.memref_squeeze %dma_start3A_184 : memref<1x200x64xf32, #tpu.memory_space<vmem>> -> memref<200x64xf32, #tpu.memory_space<vmem>>
      %dma_start3A_186 = arith.constant 0 : i32
      %dma_start3A_187 = tpu.memref_slice %arg5[%mul3A_180, %dma_start3A_186] : memref<204800x64xf32, #tpu.memory_space<hbm>> -> memref<200x64xf32, #tpu.memory_space<hbm>>
      %dma_start3A_188 = arith.constant 0 : i32
      %dma_start3A_189 = tpu.memref_slice %arg5[%mul3A_180, %dma_start3A_188] : memref<204800x64xf32, #tpu.memory_space<hbm>> -> memref<200x64xf32, #tpu.memory_space<hbm>>
      %dma_start3A_190 = arith.constant 0 : i32
      %dma_start3A_191 = arith.constant 0 : i32
      %dma_start3A_192 = tpu.memref_slice %arg8[%dma_start3A_181, %dma_start3A_190, %dma_start3A_191] : memref<2x200x64xf32, #tpu.memory_space<vmem>> -> memref<1x200x64xf32, #tpu.memory_space<vmem>>
      %dma_start3A_193 = tpu.memref_squeeze %dma_start3A_192 : memref<1x200x64xf32, #tpu.memory_space<vmem>> -> memref<200x64xf32, #tpu.memory_space<vmem>>
      tpu.enqueue_dma source(%dma_start3A_193 : memref<200x64xf32, #tpu.memory_space<vmem>>) target(%dma_start3A_189 : memref<200x64xf32, #tpu.memory_space<hbm>>) target_semaphore(%arg11 : memref<!tpu.dma_semaphore, #tpu.memory_space<semaphore_mem>>)
      %dma_wait3A_194 = arith.constant 1 : i32
      %dma_wait3A_195 = arith.constant 0 : i32
      %dma_wait3A_196 = arith.constant 0 : i32
      %dma_wait3A_197 = tpu.memref_slice %arg8[%dma_wait3A_194, %dma_wait3A_195, %dma_wait3A_196] : memref<2x200x64xf32, #tpu.memory_space<vmem>> -> memref<1x200x64xf32, #tpu.memory_space<vmem>>
      %dma_wait3A_198 = tpu.memref_squeeze %dma_wait3A_197 : memref<1x200x64xf32, #tpu.memory_space<vmem>> -> memref<200x64xf32, #tpu.memory_space<vmem>>
      %dma_wait3A_199 = arith.constant 0 : i32
      %dma_wait3A_200 = tpu.memref_slice %arg5[%mul3A_180, %dma_wait3A_199] : memref<204800x64xf32, #tpu.memory_space<hbm>> -> memref<200x64xf32, #tpu.memory_space<hbm>>
      %dma_wait3A_201 = arith.constant 0 : i32
      %dma_wait3A_202 = tpu.memref_slice %arg5[%mul3A_180, %dma_wait3A_201] : memref<204800x64xf32, #tpu.memory_space<hbm>> -> memref<200x64xf32, #tpu.memory_space<hbm>>
      %dma_wait3A_203 = arith.constant 0 : i32
      %dma_wait3A_204 = arith.constant 0 : i32
      %dma_wait3A_205 = tpu.memref_slice %arg8[%dma_wait3A_194, %dma_wait3A_203, %dma_wait3A_204] : memref<2x200x64xf32, #tpu.memory_space<vmem>> -> memref<1x200x64xf32, #tpu.memory_space<vmem>>
      %dma_wait3A_206 = tpu.memref_squeeze %dma_wait3A_205 : memref<1x200x64xf32, #tpu.memory_space<vmem>> -> memref<200x64xf32, #tpu.memory_space<vmem>>
      tpu.wait_dma2 semaphore(%arg11 : memref<!tpu.dma_semaphore, #tpu.memory_space<semaphore_mem>>) src(%dma_wait3A_206 : memref<200x64xf32, #tpu.memory_space<vmem>>) dst(%dma_wait3A_202 : memref<200x64xf32, #tpu.memory_space<hbm>>)
    }
    %scan3A_30 = arith.constant 16 : i32
    return
  }
}

</mosaic_0001>

<sc_bundles>
// kernel: _embed_lookup.3.cloned.1.call-start
scs
__scs_entry_jumppad:
0x0: {  	(pc) =	sbr.rel $0x88, $3  }
0x1: {  	(tag) =	ssettag $0x0;
	lr =	simm.s32 $0x1  }
0x2: {  	[smem:$0x3F9E] =	sst lr;
	_ =	strace $0xD0000000  }
0x3: {  	_ = 	snop  }
0x4: {  	_ = 	snop  }
0x5: {  	_ = 	snop  }
0x6: {  	_ = 	snop  }
0x7: {  	_ = 	snop  }
__scs_overlays_trampoline_lowered:
0x8: {  	[smem:$0x3FAD] =	sst s0  }
0x9: {  	[smem:$0x3FAE] =	sst s1  }
0xa: {  	[smem:$0x3FAF] =	sst s2  }
0xb: {  	[smem:$0x3FB0] =	sst s3  }
0xc: {  	[smem:$0x3FB1] =	sst s4  }
0xd: {  	[smem:$0x3FB2] =	sst s5  }
0xe: {  	[smem:$0x3FB3] =	sst s6  }
0xf: {  	[smem:$0x3FB4] =	sst s7  }
0x10: {  	[smem:$0x3FB5] =	sst s8  }
0x11: {  	[smem:$0x3FB6] =	sst s9;
	s0 =	simm.s32 @!p0 $0x0  }
0x12: {  	s1 =	sld [smem:$0x3F9C];
	s0 =	simm.s32 @p0 $0x1  }
0x13: {  	[smem:$0x3FB7] =	sst s0;
	s0 =	simm.s32 @!p1 $0x0  }
0x14: {  	s2 =	sld [smem:$0x3F9B];
	s0 =	simm.s32 @p1 $0x1  }
0x15: {  	[smem:$0x3FB8] =	sst s0;
	s0 =	simm.s32 @!p2 $0x0  }
0x16: {  	s3 =	sld [smem:$0x3FDB];
	s0 =	simm.s32 @p2 $0x1  }
0x17: {  	s4 =	simm.s32 $0x1BF5;
	[smem:$0x3FBA] =	sst s0  }
0x18: {  	s0 =	sld [smem:$0x3F9D];
	_ =	swait.ge [sflag:s4], $0x0  }
0x19: {  	s7 =	sld [smem:$0x3F9E]  }
0x1a: {  	s8 =	sadd.s32 $0xFFFFE003, lr  }
0x1b: {  	s9 =	sadd.s32 $0xFFFFFEF7, lr;
	s5 =	simm.s32 $0xFFFFFFFF;
	p2 =	slt.u32 s8, $0xFFFFF086  }
0x1c: {  	p1 =	slt.u32 s9, $0xF7A;
	s5 =	simm.s32 @!p2 $0x0  }
0x1d: {  	s5 =	simm.s32 @p1 $0x1;
	p0 =	seq.s32 s7, s2  }
0x1e: {  	s7 =	smul.u32 @!p0 $0xF7A, s2;
	p2 =	seq.s32 @!p0 s5, $0x0  }
0x1f: {  	s9 =	smul.u32 $0xF7A, s1;
	s8 =	simm.s32 @!p0 $0x1BF5;
	p2 =	por !p2, p0  }
0x20: {  	[sflag:s8] =	ssyncset.s32 @!p0 $0xFFFFF086;
	s6 =	sadd.s32 @!p0 s3, s7;
	s7 =	simm.s32 @!p0 $0x108  }
0x21: {  	s3 =	sadd.s32 s3, s9;
	s6 =	sadd.s32 @!p0 $0x88, s6;
	s7 =	simm.s32 @p2 $0x1082  }
0x22: {  	[simem:s7], [sflag:s8] =	dma.local @!p0 [hbm:s6], $0xF7A  }
0x23: {  	s9 =	sor.u32 $0xD0000000, s2;
	s6 =	simm.s32 $0x108;
	_ =	swait.ge @!p0 [sflag:s8], $0x0  }
0x24: {  	s3 =	sadd.s32 $0x88, s3;
	s6 =	simm.s32 @!p1 $0x1082;
	[sflag:s4] =	ssyncset.s32 $0xFFFFF086  }
0x25: {  	[simem:s6], [sflag:s4] =	dma.local [hbm:s3], $0xF7A  }
0x26: {  	[smem:$0x3F9E] =	sst s1;
	(tag) =	ssettag s2;
	_ =	strace s9  }
0x27: {  	s1 =	sld [smem:$0x3FAE]  }
0x28: {  	s2 =	sld [smem:$0x3FAF]  }
0x29: {  	s4 =	sld [smem:$0x3FB1]  }
0x2a: {  	p0 =	seq.s32 s5, $0x0;
	s5 =	sld [smem:$0x3FB2]  }
0x2b: {  	s6 =	sld [smem:$0x3FB3]  }
0x2c: {  	s7 =	sld [smem:$0x3FB4]  }
0x2d: {  	s3 =	simm.s32 $0x108;
	s8 =	sld [smem:$0x3FB5]  }
0x2e: {  	s3 =	simm.s32 @!p0 $0x1082;
	s9 =	sld [smem:$0x3FB6]  }
0x2f: {  	lr =	sadd.s32 s0, s3;
	s0 =	sld [smem:$0x3FAD]  }
0x30: {  	s3 =	sld [smem:$0x3FB0]  }
0x31: {  	[smem:$0x3FB9] =	sst s10  }
0x32: {  	s10 =	sld [smem:$0x3FB7];
	_ =	sdelay $0x3  }
0x33: {  	p0 =	seq.s32 s10, $0x1;
	s10 =	sld [smem:$0x3FB9];
	_ =	sdelay $0x3  }
0x34: {  	[smem:$0x3FB9] =	sst s10  }
0x35: {  	s10 =	sld [smem:$0x3FB8];
	_ =	sdelay $0x3  }
0x36: {  	p1 =	seq.s32 s10, $0x1;
	s10 =	sld [smem:$0x3FB9];
	_ =	sdelay $0x3  }
0x37: {  	[smem:$0x3FB9] =	sst s10  }
0x38: {  	s10 =	sld [smem:$0x3FBA]  }
0x39: {  	_ = 	snop;
	(pc) =	sbr.ind lr, $3  }
0x3a: {  	_ = 	snop  }
0x3b: {  	_ = 	snop  }
0x3c: {  	p2 =	seq.s32 s10, $0x1;
	s10 =	sld [smem:$0x3FB9]  }
0x3d: {  	_ =	shalt  }
0x3e: {  	_ =	shalt  }
0x3f: {  	_ =	shalt  }
0x40: {  	_ =	shalt  }
0x41: {  	_ =	shalt  }
0x42: {  	_ =	shalt  }
0x43: {  	_ =	shalt  }
0x44: {  	_ =	shalt  }
0x45: {  	_ =	shalt  }
0x46: {  	_ =	shalt  }
0x47: {  	_ =	shalt  }
0x48: {  	_ =	shalt  }
0x49: {  	_ =	shalt  }
0x4a: {  	_ =	shalt  }
0x4b: {  	_ =	shalt  }
0x4c: {  	_ =	shalt  }
0x4d: {  	_ =	shalt  }
0x4e: {  	_ =	shalt  }
0x4f: {  	_ =	shalt  }
0x50: {  	_ =	shalt  }
0x51: {  	_ =	shalt  }
0x52: {  	_ =	shalt  }
0x53: {  	_ =	shalt  }
0x54: {  	_ =	shalt  }
0x55: {  	_ =	shalt  }
0x56: {  	_ =	shalt  }
0x57: {  	_ =	shalt  }
0x58: {  	_ =	shalt  }
0x59: {  	_ =	shalt  }
0x5a: {  	_ =	shalt  }
0x5b: {  	_ =	shalt  }
0x5c: {  	_ =	shalt  }
0x5d: {  	_ =	shalt  }
0x5e: {  	_ =	shalt  }
0x5f: {  	_ =	shalt  }
0x60: {  	_ =	shalt  }
0x61: {  	_ =	shalt  }
0x62: {  	_ =	shalt  }
0x63: {  	_ =	shalt  }
0x64: {  	_ =	shalt  }
0x65: {  	_ =	shalt  }
0x66: {  	_ =	shalt  }
0x67: {  	_ =	shalt  }
0x68: {  	_ =	shalt  }
0x69: {  	_ =	shalt  }
0x6a: {  	_ =	shalt  }
0x6b: {  	_ =	shalt  }
0x6c: {  	_ =	shalt  }
0x6d: {  	_ =	shalt  }
0x6e: {  	_ =	shalt  }
0x6f: {  	_ =	shalt  }
0x70: {  	_ =	shalt  }
0x71: {  	_ =	shalt  }
0x72: {  	_ =	shalt  }
0x73: {  	_ =	shalt  }
0x74: {  	_ =	shalt  }
0x75: {  	_ =	shalt  }
0x76: {  	_ =	shalt  }
0x77: {  	_ =	shalt  }
0x78: {  	_ =	shalt  }
0x79: {  	_ =	shalt  }
0x7a: {  	_ =	shalt  }
0x7b: {  	_ =	shalt  }
0x7c: {  	_ =	shalt  }
0x7d: {  	_ =	shalt  }
0x7e: {  	_ =	shalt  }
0x7f: {  	_ =	shalt  }
0x80: {  	_ =	shalt  }
0x81: {  	_ =	shalt  }
0x82: {  	_ =	shalt  }
0x83: {  	_ =	shalt  }
0x84: {  	_ =	shalt  }
0x85: {  	_ =	shalt  }
0x86: {  	_ =	shalt  }
0x87: {  	_ =	shalt  }
.Lfunc_end0:
.L_simem_size_0:
called_computation.1_lowered:
.L_overlay_start_0:
0x88: {  	s2 =	sld [smem:$0x3FD9]  }
0x89: {  	s3 =	sld [smem:$0x3FFE];
	_ =	sdelay $0x1  }
0x8a: {  	s1 =	srdreg.scid  }
0x8b: {  	s0 =	sand.u32 $0x1, s1  }
0x8c: {  	s17 =	sshll.u32 s0, $0xA;
	s2 =	sadd.s32 s3, s2  }
0x8d: {  	s2 =	sadd.s32 s2, s17  }
0x8e: {  	[smem:$0x3FC5] =	sst s2  }
0x8f: {  	_ = 	snop  }
0x90: {  	s2 =	sld [smem:$0x3FD0];
	(tm) =	ssettm $0x1  }
0x91: {  	s18 =	sld [smem:$0x3FFB];
	_ =	sdelay $0x3  }
0x92: {  	_ =	strace s18  }
0x93: {  	s3 =	sld [smem:$0x3FFC];
	_ =	sdelay $0x3  }
0x94: {  	_ =	strace s3  }
0x95: {  	s3 =	sld [smem:$0x3FFD];
	_ =	sdelay $0x3  }
0x96: {  	_ =	strace s3  }
0x97: {  	_ =	strace $0x8FFFFFFF  }
0x98: {  	s19 =	sld [smem:$0x3FDB];
	_ =	sdelay $0x1  }
0x99: {  	s4 =	simm.s32 $_scs_section_size  }
0x9a: {  	s5 =	simm.s32 $_size__tile_overlayer_lowered;
	s6 =	simm.s32 $_tile_overlayer_lowered  }
0x9b: {  	s22 =	simm.s32 $0x1BFF;
	s21 =	sshll.u32 s6, $0x1;
	s3 =	sadd.s32 s4, s19  }
0x9c: {  	s7 =	simm.s32 $0x0;
	s20 =	sshll.u32 s5, $0x1;
	s5 =	sadd.s32 s21, s3  }
0x9d: {  	[timem:s7], [sflag:s22] =	dma.local [hbm:s5], s20  }
0x9e: {  	_ =	swait.ge [sflag:s22], s20  }
0x9f: {  	s4 =	ssub.s32 $0x0, s20;
	[sflag:s22] =	ssyncset.done $0x0  }
0xa0: {  	[sflag:s22] =	ssyncadd.s32 s4;
	_ =	sdelay $0x1  }
0xa1: {  	s23 =	simm.s32 $0x1B8B  }
0xa2: {  	_ =	swait.ge [sflag:s23], $0x1  }
0xa3: {  	[sflag:s23] =	ssyncset.done $0x0  }
0xa4: {  	s25 =	simm.s32 $0x1B8E;
	s24 =	sld [smem:$0x3FFE];
	[sflag:s23] =	ssyncadd.s32 $0xFFFFFFFF  }
0xa5: {  	s26 =	simm.s32 $execute0_lowered;
	[smem:$0x3FD2] =	sst s25  }
0xa6: {  	s5 =	sshll.u32 s26, $0x1;
	_ =	strace $0x80000046;
	[dreg:$0x1] =	wrdreg $0xFFFFFFFF  }
0xa7: {  	s28 =	simm.s32 $_size_execute0_lowered;
	s3 =	sadd.s32 s3, s5;
	[dreg:$0x0] =	wrdreg $0x0  }
0xa8: {  	s5 =	sshll.u32 s28, $0x1;
	[dreg:$0x2] =	wrdreg s3  }
0xa9: {  	[dreg:$0x3] =	wrdreg s5  }
0xaa: {  	[dreg:$0x4] =	wrdreg $0xC0  }
0xab: {  	_ =	task [dreg:s7], $0x5FFFF  }
0xac: {  	[dreg:$0x1] =	wrdreg $0xFFFFFFFF  }
0xad: {  	[dreg:$0x0] =	wrdreg $0x60  }
0xae: {  	[dreg:$0x2] =	wrdreg s24  }
0xaf: {  	[dreg:$0x3] =	wrdreg s2  }
0xb0: {  	[dreg:$0x4] =	wrdreg $0x9  }
0xb1: {  	_ =	task.clear_ibuf [dreg:s7], $0x5FFFF;
	_ =	strace $0x90000046  }
0xb2: {  	s29 =	simm.s32 $0x9;
	_ =	strace $0x80000048  }
0xb3: {  	_ =	swait.ge [sflag:s29], $0x1  }
0xb4: {  	[sflag:s29] =	ssyncadd.s32 $0xFFFFFFFF  }
0xb5: {  	_ =	strace $0x90000048  }
0xb6: {  	_ =	sfence  }
0xb7: {  	s30 =	sld [smem:$0x0];
	_ =	sdelay $0x2  }
0xb8: {  	s31 =	sshll.u32 s1, $0xD;
	s1 =	sshrl.u32 s1, $0x2  }
0xb9: {  	s3 =	sand.u32 $0x4000, s31;
	s1 =	sadd.s32 s1, s30  }
0xba: {  	s0 =	sor.u32 s3, s0;
	s1 =	sshll.u32 s1, $0x11  }
0xbb: {  	s0 =	sor.u32 s1, s0  }
0xbc: {  	s0 =	sadd.s32 $0x8F2B, s0  }
0xbd: {  	[sflag:s0] =	ssyncadd.remote.s32 $0x1  }
0xbe: {  	_ =	sfence.sel $0xFFFF  }
0xbf: {  	[dreg:$0x0] =	wrdreg $0xFFFFFFFF;
	(pc) =	sbr.abs _section_cstart, $3  }
0xc0: {  	[dreg:$0x1] =	wrdreg $0xFFFFFFFF  }
0xc1: {  	_ =	task.clear_ibuf [dreg:s7], $0x2FFFF;
	_ =	strace $0x9FFFFFFF  }
0xc2: {  	(tm) =	ssettm $0x7FFFFFFF  }
0xc3: {  	_ =	shalt  }
tec
execute0_lowered:
.L_overlay_start_1:
0x0: {  	(tag) =	ssettag $0x1  }
0x1: {  	s1 =	srdreg.scid  }
0x2: {  	s0 =	stileid.u32;
	s5 =	rddreg [dreg:$0x0]  }
0x3: {  	s2 =	rddreg [dreg:$0x1];
	s3 =	simm.s32 $0x0;
	s10 =	simm.s32 $0x4  }
0x4: {  	s11 =	simm.s32 $0x64;
	s12 =	simm.s32 $0x4C00;
	s13 =	simm.s32 $0x68  }
0x5: {  	s14 =	simm.s32 $0x6500;
	s15 =	simm.s32 $0x7E00;
	s16 =	simm.s32 $0x9700  }
0x6: {  	s17 =	simm.s32 $0x1;
	s18 =	simm.s32 $0x3;
	s19 =	simm.s32 $0x2  }
0x7: {  	s4 =	sand.u32 $0x1, s1;
	s31 =	sshll.u32 s0, $0x1;
	s1 =	rddreg [dreg:$0x2]  }
0x8: {  	s20 =	simm.s32 $0x0;
	[smem:$0x7FF] =	sst s3;
	s7 =	sor.u32 s4, s31  }
0x9: {  	s8 =	ssub.s32 $0x2, s4;
	_ =	strace $0x80000047;
	s6 =	smul.u32 $0x340, s7  }
0xa: {  	s4 =	sadd.s32 $0xF43000, s5;
	s9 =	sshrl.u32 s8, $0x1;
	s7 =	sshll.u32 s7, $0x5  }
0xb: {  	s8 =	ssub.s32 s8, s9;
	s9 =	simm.s32 $0x1A00;
	s6 =	sadd.s32 s6, s5  }
0xc: {  	s5 =	sadd.s32 $0x7400, s5;
	s8 =	smax.u32 s8, $0x1;
	s6 =	sadd.s32 $0xC00, s6  }
.LBB2_1:
0xd: {  	[tilespmem:s9], [sflag:$0x4] =	stream.linear.gather [hbm4b:s5+s3], $0x3200, $0x38;
	[tilespmem:$0xB000] =	vst v63  }
0xe: {  	_ =	swait.ge [sflag:s10], $0x3200  }
0xf: {  	[sflag:s10] =	ssyncset.done $0x0  }
0x10: {  	[sflag:s10] =	ssyncadd.s32 $0xFFFFCE00  }
0x11: {  	[tilespmem:s3], [sflag:$0x4] =	stream.linear.gather [hbm4b:s6+s3], $0x1A00, $0x38;
	[tilespmem:$0xB000] =	vst v63  }
0x12: {  	_ =	swait.ge [sflag:s10], $0x1A00  }
0x13: {  	[sflag:s10] =	ssyncset.done $0x0  }
0x14: {  	[sflag:s10] =	ssyncadd.s32 $0xFFFFE600  }
0x15: {  	[tilespmem:s12], [sflag:$0x1] =	stream.indirect.gather [hbm4b:s4+s11], $0x40, s3, s11, $0xb8;
	[tilespmem:$0xB000] =	vst v63  }
0x16: {  	s21 =	simm.s32 $0x0  }
0x17: {  	[tilespmem:s14], [sflag:$0x1] =	stream.indirect.gather [hbm4b:s4+s11], $0x40, s13, s11, $0xb8;
	[tilespmem:$0xB000] =	vst v63  }
.LBB2_2:
0x18: {  	s22 =	sshllo.u32 s21, $0x1  }
0x19: {  	s23 =	smul.u32 $0x340, s22;
	_ =	sdelay $0x1  }
0x1a: {  	s23 =	sshra.s32 s23, $0x2  }
0x1b: {  	[tilespmem:s15], [sflag:$0x2] =	stream.indirect.gather [hbm4b:s4+s11], $0x40, s23, s11, $0xb8;
	[tilespmem:$0xB000] =	vst v63  }
0x1c: {  	s23 =	sadd.s32 $0x68, s23  }
0x1d: {  	[tilespmem:s16], [sflag:$0x2] =	stream.indirect.gather [hbm4b:s4+s11], $0x40, s23, s11, $0xb8;
	[tilespmem:$0xB000] =	vst v63  }
0x1e: {  	_ =	swait.ge [sflag:s17], $0x1900  }
0x1f: {  	[sflag:s17] =	ssyncset.done $0x0  }
0x20: {  	[sflag:s17] =	ssyncadd.s32 $0xFFFFE700  }
0x21: {  	_ =	swait.ge [sflag:s17], $0x1900  }
0x22: {  	[sflag:s17] =	ssyncset.done $0x0  }
0x23: {  	s23 =	simm.s32 $0x0;
	[sflag:s17] =	ssyncadd.s32 $0xFFFFE700  }
0x24: {  	v1 =	vld [tilespmem:s23+$0x1A30]  }
0x25: {  	v2 =	vld [tilespmem:s23+$0x1A00]  }
0x26: {  	v3 =	vld [tilespmem:s23+$0x1A10]  }
0x27: {  	v0 =	vld [tilespmem:s23+$0x1A20];
	_ =	sdelay $0x1  }
0x28: {  	[tilespmem:s23+$0x4C30] =	vst.add.f32.msk $0xffff, v1  }
0x29: {  	[tilespmem:s23+$0x4C00] =	vst.add.f32.msk $0xffff, v2  }
0x2a: {  	s24 =	sshll.u32 s21, $0x1;
	s25 =	simm.s32 $0x40;
	s26 =	simm.s32 $0x200;
	[tilespmem:s23+$0x4C10] =	vst.add.f32.msk $0xffff, v3  }
.LBB2_3:
0x2b: {  	p0 =	sne.s32 s26, $0xC700;
	v1 =	vld [tilespmem:s25+$0x1A30];
	v2 =	vmov v0  }
0x2c: {  	v3 =	vld [tilespmem:s25+$0x1A00]  }
0x2d: {  	v4 =	vld [tilespmem:s25+$0x1A10]  }
.Ltmp0:
0x2e: {  	v0 =	vld [tilespmem:s25+$0x1A20];
	(pc) =	sbr.rel @p0 .LBB2_3-.Ltmp0, $4  }
0x2f: {  	[tilespmem:s23+$0x4C20] =	vst.add.f32.msk $0xffff, v2;
	s23 =	smov.u32 s25  }
0x30: {  	[tilespmem:s23+$0x4C30] =	vst.add.f32.msk $0xffff, v1  }
0x31: {  	[tilespmem:s23+$0x4C00] =	vst.add.f32.msk $0xffff, v3  }
0x32: {  	s25 =	sshra.s32 s26, $0x2;
	s26 =	sadd.s32 $0x100, s26;
	[tilespmem:s23+$0x4C10] =	vst.add.f32.msk $0xffff, v4  }
0x33: {  	v1 =	vld [tilespmem:s25+$0x1A30]  }
0x34: {  	v2 =	vld [tilespmem:s25+$0x1A00]  }
0x35: {  	v3 =	vld [tilespmem:s25+$0x1A10]  }
0x36: {  	v4 =	vld [tilespmem:s25+$0x1A20]  }
0x37: {  	[tilespmem:s23+$0x4C20] =	vst.add.f32.msk $0xffff, v0  }
0x38: {  	s31 =	sadd.s32 s7, s24;
	[tilespmem:s25+$0x4C30] =	vst.add.f32.msk $0xffff, v1  }
0x39: {  	s23 =	smul.u32 $0x640, s31;
	[tilespmem:s25+$0x4C00] =	vst.add.f32.msk $0xffff, v2  }
0x3a: {  	[tilespmem:s25+$0x4C10] =	vst.add.f32.msk $0xffff, v3  }
0x3b: {  	p0 =	seq.s32 s21, $0xF;
	s23 =	sadd.s32 s2, s23;
	[tilespmem:s25+$0x4C20] =	vst.add.f32.msk $0xffff, v4  }
0x3c: {  	[hbm4b:s23+s3] =	stream.linear.scatter [tilespmem:s12], [sflag:$0x3], $0x3200, $0x38;
	[tilespmem:$0xB000] =	vst v63  }
0x3d: {  	s23 =	smul.u32 @!p0 $0x680, s21  }
0x3e: {  	_ =	swait.ge [sflag:s18], $0x3200  }
0x3f: {  	s26 =	simm.s32 @!p0 $0x4C00;
	[sflag:s18] =	ssyncset.done $0x0;
	s23 =	sshra.s32 @!p0 s23, $0x2  }
0x40: {  	s25 =	simm.s32 @!p0 $0x64;
	[sflag:s18] =	ssyncadd.s32 $0xFFFFCE00;
	s24 =	sadd.s32 @!p0 $0x1A0, s23  }
0x41: {  	[tilespmem:s26], [sflag:$0x1] =	stream.indirect.gather @!p0 [hbm4b:s4+s25], $0x40, s24, s25, $0xb8;
	[tilespmem:$0xB000] =	vst v63  }
0x42: {  	s23 =	sadd.s32 @!p0 $0x208, s23;
	s24 =	simm.s32 @!p0 $0x6500  }
0x43: {  	[tilespmem:s24], [sflag:$0x1] =	stream.indirect.gather @!p0 [hbm4b:s4+s25], $0x40, s23, s25, $0xb8;
	[tilespmem:$0xB000] =	vst v63  }
0x44: {  	_ =	swait.ge [sflag:s19], $0x1900  }
0x45: {  	[sflag:s19] =	ssyncset.done $0x0  }
0x46: {  	[sflag:s19] =	ssyncadd.s32 $0xFFFFE700  }
0x47: {  	_ =	swait.ge [sflag:s19], $0x1900  }
0x48: {  	[sflag:s19] =	ssyncset.done $0x0  }
0x49: {  	s23 =	simm.s32 $0x0;
	[sflag:s19] =	ssyncadd.s32 $0xFFFFE700  }
0x4a: {  	v1 =	vld [tilespmem:s23+$0x1A30]  }
0x4b: {  	v2 =	vld [tilespmem:s23+$0x1A00]  }
0x4c: {  	v3 =	vld [tilespmem:s23+$0x1A10]  }
0x4d: {  	v0 =	vld [tilespmem:s23+$0x1A20];
	_ =	sdelay $0x1  }
0x4e: {  	[tilespmem:s23+$0x7E30] =	vst.add.f32.msk $0xffff, v1  }
0x4f: {  	[tilespmem:s23+$0x7E00] =	vst.add.f32.msk $0xffff, v2  }
0x50: {  	s24 =	simm.s32 $0x40;
	s25 =	simm.s32 $0x200;
	[tilespmem:s23+$0x7E10] =	vst.add.f32.msk $0xffff, v3  }
.LBB2_5:
0x51: {  	p0 =	sne.s32 s25, $0xC700;
	v1 =	vld [tilespmem:s24+$0x1A30];
	v2 =	vmov v0  }
0x52: {  	v3 =	vld [tilespmem:s24+$0x1A00]  }
0x53: {  	v4 =	vld [tilespmem:s24+$0x1A10]  }
.Ltmp1:
0x54: {  	v0 =	vld [tilespmem:s24+$0x1A20];
	(pc) =	sbr.rel @p0 .LBB2_5-.Ltmp1, $4  }
0x55: {  	[tilespmem:s23+$0x7E20] =	vst.add.f32.msk $0xffff, v2;
	s23 =	smov.u32 s24  }
0x56: {  	[tilespmem:s23+$0x7E30] =	vst.add.f32.msk $0xffff, v1  }
0x57: {  	[tilespmem:s23+$0x7E00] =	vst.add.f32.msk $0xffff, v3  }
0x58: {  	s24 =	sshra.s32 s25, $0x2;
	s25 =	sadd.s32 $0x100, s25;
	[tilespmem:s23+$0x7E10] =	vst.add.f32.msk $0xffff, v4  }
0x59: {  	v1 =	vld [tilespmem:s24+$0x1A30]  }
0x5a: {  	v2 =	vld [tilespmem:s24+$0x1A00]  }
0x5b: {  	v3 =	vld [tilespmem:s24+$0x1A10]  }
0x5c: {  	v4 =	vld [tilespmem:s24+$0x1A20]  }
0x5d: {  	[tilespmem:s23+$0x7E20] =	vst.add.f32.msk $0xffff, v0  }
0x5e: {  	s22 =	sadd.s32 s7, s22;
	[tilespmem:s24+$0x7E30] =	vst.add.f32.msk $0xffff, v1  }
0x5f: {  	s21 =	sadd.s32 $0x1, s21;
	s22 =	smul.u32 $0x640, s22;
	[tilespmem:s24+$0x7E00] =	vst.add.f32.msk $0xffff, v2  }
0x60: {  	p0 =	sne.s32 s21, $0x10;
	[tilespmem:s24+$0x7E10] =	vst.add.f32.msk $0xffff, v3  }
.Ltmp2:
0x61: {  	s22 =	sadd.s32 s2, s22;
	[tilespmem:s24+$0x7E20] =	vst.add.f32.msk $0xffff, v4;
	(pc) =	sbr.rel @p0 .LBB2_2-.Ltmp2, $4  }
0x62: {  	[hbm4b:s22+s3] =	stream.linear.scatter [tilespmem:s15], [sflag:$0x3], $0x3200, $0x38;
	[tilespmem:$0xB000] =	vst v63  }
0x63: {  	_ =	swait.ge [sflag:s18], $0x3200  }
0x64: {  	[sflag:s18] =	ssyncset.done $0x0  }
0x65: {  	[sflag:s18] =	ssyncadd.s32 $0xFFFFCE00  }
0x66: {  	s20 =	sadd.s32 $0x1, s20  }
0x67: {  	p0 =	sne.s32 s20, s8  }
.Ltmp3:
0x68: {  	_ = 	snop;
	(pc) =	sbr.rel @p0 .LBB2_1-.Ltmp3, $1  }
0x69: {  	_ =	sdelay $0x3  }
0x6a: {  	_ =	sfence.sel $0x180000  }
0x6b: {  	[bflag:$0x0] =	sbarrier.arrive $0xFFFF  }
0x6c: {  	p0 =	sne.s32 s0, $0x0;
	_ =	strace $0x90000047  }
0x6d: {  	s0 =	sadd.s32 @!p0 $0x100000, s1;
	[bflag:$0x2] =	sbarrier.arrive $0xFFFF  }
0x6e: {  	[sflag:s0] =	ssyncadd.tile.s32 @!p0 $0x1;
	_ =	shalt  }
.Lfunc_end2:
_tile_overlayer_lowered:
.L_overlay_start_2:
0x6f: {  	(tag) =	ssettag $0x2  }
0x70: {  	s0 =	rddreg [dreg:$0x0];
	s2 =	stileid.u32  }
0x71: {  	s1 =	rddreg [dreg:$0x1];
	p0 =	sne.s32 s2, $0x0  }
0x72: {  	s3 =	rddreg [dreg:$0x2];
	[bflag:$0x3] =	sbarrier.arrive $0xFFFF;
	s2 =	simm.s32 @!p0 $0x1C04  }
0x73: {  	[timem:s3], [sflag:s2] =	dma.local @!p0 [hbm:s0], s1  }
0x74: {  	s0 =	simm.s32 @!p0 $0x4  }
0x75: {  	_ =	swait.ge @!p0 [sflag:s0], s1  }
0x76: {  	s1 =	ssub.s32 @!p0 $0x0, s1;
	[sflag:s0] =	ssyncset.done @!p0 $0x0  }
0x77: {  	[sflag:s0] =	ssyncadd.s32 @!p0 s1  }
0x78: {  	[bflag:$0x3] =	sbarrier.arrive $0xFFFF  }
0x79: {  	_ =	shalt  }

// kernel: sparse-core-data-format-call.cloned.1.call-start
scs
called_computation_lowered:
.L_overlay_start_0:
0x0: {  	s2 =	sld [smem:$0x3FD9]  }
0x1: {  	s3 =	sld [smem:$0x3FFE];
	_ =	sdelay $0x1  }
0x2: {  	s1 =	srdreg.scid  }
0x3: {  	s0 =	sand.u32 $0x1, s1  }
0x4: {  	s18 =	sshll.u32 s0, $0xA;
	s2 =	sadd.s32 s3, s2  }
0x5: {  	s2 =	sadd.s32 s2, s18  }
0x6: {  	[smem:$0x3FC5] =	sst s2  }
0x7: {  	_ = 	snop  }
0x8: {  	s2 =	sld [smem:$0x3FD0];
	(tm) =	ssettm $0x1  }
0x9: {  	s19 =	sld [smem:$0x3FFB];
	_ =	sdelay $0x3  }
0xa: {  	_ =	strace s19  }
0xb: {  	s3 =	sld [smem:$0x3FFC];
	_ =	sdelay $0x3  }
0xc: {  	_ =	strace s3  }
0xd: {  	s3 =	sld [smem:$0x3FFD];
	_ =	sdelay $0x3  }
0xe: {  	_ =	strace s3  }
0xf: {  	_ =	strace $0x8FFFFFFF  }
0x10: {  	s20 =	sld [smem:$0x3FDB];
	_ =	sdelay $0x1  }
0x11: {  	s4 =	simm.s32 $_scs_section_size  }
0x12: {  	s5 =	simm.s32 $_size__tile_overlayer_lowered;
	s6 =	simm.s32 $_tile_overlayer_lowered  }
0x13: {  	s23 =	simm.s32 $0x1BFF;
	s22 =	sshll.u32 s6, $0x1;
	s3 =	sadd.s32 s4, s20  }
0x14: {  	s7 =	simm.s32 $0x0;
	s21 =	sshll.u32 s5, $0x1;
	s5 =	sadd.s32 s22, s3  }
0x15: {  	[timem:s7], [sflag:s23] =	dma.local [hbm:s5], s21  }
0x16: {  	_ =	swait.ge [sflag:s23], s21  }
0x17: {  	s4 =	ssub.s32 $0x0, s21;
	[sflag:s23] =	ssyncset.done $0x0  }
0x18: {  	[sflag:s23] =	ssyncadd.s32 s4;
	_ =	sdelay $0x1  }
0x19: {  	s24 =	simm.s32 $0x1B8B  }
0x1a: {  	_ =	swait.ge [sflag:s24], $0x1  }
0x1b: {  	[sflag:s24] =	ssyncset.done $0x0  }
0x1c: {  	s26 =	simm.s32 $0x1B8E;
	s25 =	sld [smem:$0x3FFE];
	[sflag:s24] =	ssyncadd.s32 $0xFFFFFFFF  }
0x1d: {  	s27 =	simm.s32 $execute0_lowered;
	[smem:$0x3FD2] =	sst s26  }
0x1e: {  	s5 =	sshll.u32 s27, $0x1;
	_ =	strace $0x80000049;
	[dreg:$0x1] =	wrdreg $0xFFFFFFFF  }
0x1f: {  	s28 =	simm.s32 $_size_execute0_lowered;
	s3 =	sadd.s32 s3, s5;
	[dreg:$0x0] =	wrdreg $0x0  }
0x20: {  	s5 =	sshll.u32 s28, $0x1;
	[dreg:$0x2] =	wrdreg s3  }
0x21: {  	[dreg:$0x3] =	wrdreg s5  }
0x22: {  	[dreg:$0x4] =	wrdreg $0xC0  }
0x23: {  	_ =	task [dreg:s7], $0x5FFFF  }
0x24: {  	[dreg:$0x1] =	wrdreg $0xFFFFFFFF  }
0x25: {  	[dreg:$0x0] =	wrdreg $0x60  }
0x26: {  	[dreg:$0x2] =	wrdreg s25  }
0x27: {  	[dreg:$0x3] =	wrdreg s2  }
0x28: {  	[dreg:$0x4] =	wrdreg $0x9  }
0x29: {  	_ =	task.clear_ibuf [dreg:s7], $0x5FFFF;
	_ =	strace $0x90000049  }
0x2a: {  	s29 =	simm.s32 $0x9;
	_ =	strace $0x8000004B  }
0x2b: {  	_ =	swait.ge [sflag:s29], $0x1  }
0x2c: {  	[sflag:s29] =	ssyncadd.s32 $0xFFFFFFFF  }
0x2d: {  	_ =	strace $0x9000004B  }
0x2e: {  	_ =	sfence  }
0x2f: {  	s30 =	sld [smem:$0x0];
	_ =	sdelay $0x2  }
0x30: {  	s31 =	sshll.u32 s1, $0xD;
	s1 =	sshrl.u32 s1, $0x2  }
0x31: {  	s3 =	sand.u32 $0x4000, s31;
	s1 =	sadd.s32 s1, s30  }
0x32: {  	s0 =	sor.u32 s3, s0;
	s1 =	sshll.u32 s1, $0x11  }
0x33: {  	s0 =	sor.u32 s1, s0  }
0x34: {  	s0 =	sadd.s32 $0x8F2B, s0  }
0x35: {  	[sflag:s0] =	ssyncadd.remote.s32 $0x1  }
0x36: {  	_ =	sfence.sel $0xFFFF  }
0x37: {  	[dreg:$0x0] =	wrdreg $0xFFFFFFFF;
	(pc) =	sbr.abs _section_cstart, $3  }
0x38: {  	[dreg:$0x1] =	wrdreg $0xFFFFFFFF  }
0x39: {  	_ =	task.clear_ibuf [dreg:s7], $0x2FFFF;
	_ =	strace $0x9FFFFFFF  }
0x3a: {  	(tm) =	ssettm $0x7FFFFFFF  }
0x3b: {  	_ =	shalt  }
tec
execute0_lowered:
.L_overlay_start_1:
0x0: {  	(tag) =	ssettag $0x1  }
0x1: {  	s0 =	srdreg.scid  }
0x2: {  	s1 =	sshll.u32 s0, $0x4  }
0x3: {  	s4 =	rddreg [dreg:$0x0];
	s0 =	stileid.u32;
	s1 =	sand.u32 $0x10, s1  }
0x4: {  	s2 =	rddreg [dreg:$0x1];
	s7 =	simm.s32 $0x1;
	s1 =	sor.u32 s0, s1  }
0x5: {  	s8 =	simm.s32 $0x2;
	s11 =	simm.s32 $0x0;
	s3 =	sshll.u32 s1, $0x7  }
0x6: {  	s10 =	simm.s32 $0x0;
	s4 =	sadd.s32 $0xC00, s4;
	s6 =	ssub.s32 $0x32000, s3  }
.Ltmp0:
0x7: {  	s1 =	rddreg [dreg:$0x2];
	s5 =	sand.u32 $0xF80, s6;
	(pc) =	sbr.rel .LBB1_1-.Ltmp0, $4  }
0x8: {  	_ =	strace $0x8000004A;
	s9 =	smov.u32 s3;
	p0 =	sne.s32 s5, $0x0  }
0x9: {  	s6 =	sshrl.u32 s6, $0xC;
	s5 =	simm.s32 $0x1;
	s7 =	simm.s32 @!p0 $0x0  }
0xa: {  	[sflag:s5] =	ssyncpa.u1 $0x0;
	p0 =	por $0x0, $0x0;
	s6 =	sadd.s32 s7, s6  }
0xb: {  	[sflag:s8] =	ssyncpa.u1 $0x0;
	s8 =	simm.s32 $0x190000;
	s7 =	sadd.s32 $0x1, s6  }
.LBB1_4:
0xc: {  	s14 =	sshll.u32 s11, $0x3  }
0xd: {  	s30 =	sand.u32 $0x7F, s11;
	s15 =	sand.u32 $0xFFFFFC00, s14  }
0xe: {  	s11 =	sor.u32 s30, s15  }
0xf: {  	s15 =	smulhi.u32 $0x51EB851F, s11  }
0x10: {  	s14 =	smulhi.u32 $0x51EB851F, s14  }
0x11: {  	s15 =	sshrl.u32 s15, $0x10  }
0x12: {  	s14 =	sshrl.u32 s14, $0x10;
	s15 =	smul.u32 $0x32000, s15  }
0x13: {  	s14 =	sand.u32 $0x3F, s14  }
0x14: {  	s14 =	smul.u32 $0x6400, s14;
	s11 =	ssub.s32 s11, s15  }
0x15: {  	[tilespmem:s13+$0x810 ss:$0x81] =	vst.msk $0xffff, v2;
	s15 =	sand.u32 $0x7, s11  }
0x16: {  	[tilespmem:s13+$0x1020 ss:$0x81] =	vst.msk $0xffff, v0;
	s14 =	sadd.s32 s2, s14;
	s11 =	sshrl.u32 s11, $0x3;
	s15 =	sshll.u32 s15, $0x12  }
0x17: {  	[tilespmem:s13+$0x0 ss:$0x81] =	vst.msk $0xffff, v1;
	s11 =	sadd.s32 s11, s14;
	s31 =	sor.u32 $0x400, s15  }
0x18: {  	[hbm4b:s11+s31] =	stream.strided.scatter [tilespmem:s12], [sflag:$0x2], $0x2000, s8, s31, $0x20;
	[tilespmem:$0x8080] =	vst v63  }
.LBB1_5:
0x19: {  	s13 =	sadd.s32 $0x1000, s9  }
0x1a: {  	p2 =	sgt.s32 s13, $0x31FFF  }
0x1b: {  	s13 =	smov.u32 @p2 s3;
	p2 =	sne.s32 s10, s7  }
.Ltmp1:
0x1c: {  	p1 =	slt.u32 s10, $0x2;
	(pc) =	sbr.rel @!p2 .LBB1_6-.Ltmp1, $4  }
0x1d: {  	s12 =	simm.s32 @!p1 $0x2  }
0x1e: {  	s14 =	sadd.s32 $0x1, s10;
	_ =	swait.ge @!p1 [sflag:s12], $0x2000  }
0x1f: {  	s11 =	smov.u32 s9;
	p0 =	por !p0, !p0;
	[sflag:s12] =	ssyncset.done @!p1 $0x0  }
0x20: {  	s10 =	smov.u32 s14;
	s9 =	smov.u32 s13;
	[sflag:s12] =	ssyncadd.s32 @!p1 $0xFFFFE000  }
.LBB1_1:
0x21: {  	p1 =	sge.u32 s10, s6  }
0x22: {  	s12 =	sand.u32 @!p1 $0x1FFFFFF, s9  }
0x23: {  	s13 =	smulhi.u32 @!p1 $0x147AE15, s12;
	_ =	sdelay $0x1  }
0x24: {  	s13 =	sshrl.u32 @!p1 s13, $0xA  }
0x25: {  	s13 =	smul.u32 @!p1 $0x32000, s13;
	_ =	sdelay $0x1  }
0x26: {  	s31 =	sadd.s32 $0xFFFFFFFF, s10;
	s14 =	sxor.u32 @!p1 $0xFFFFFFFF, s10;
	s12 =	ssub.s32 @!p1 s12, s13  }
0x27: {  	s15 =	simm.s32 @!p1 $0x80;
	s14 =	sshll.u32 @!p1 s14, $0xD;
	s12 =	sshll.u32 @!p1 s12, $0x4  }
0x28: {  	s13 =	sand.u32 @!p1 $0x2000, s14;
	s14 =	simm.s32 @!p1 $0x40;
	s12 =	sadd.s32 @!p1 s4, s12  }
0x29: {  	[tilespmem:s13], [sflag:$0x1] =	stream.strided.gather @!p1 [hbm4b:s12+s14], $0x2000, s15, s14, $0x38;
	[tilespmem:$0x8080] =	vst v63  }
0x2a: {  	p1 =	sge.u32 s31, s6  }
.Ltmp2:
0x2b: {  	_ = 	snop;
	(pc) =	sbr.rel @p1 .LBB1_5-.Ltmp2, $1  }
0x2c: {  	_ =	sdelay $0x3  }
0x2d: {  	s12 =	simm.s32 $0x1  }
0x2e: {  	_ =	swait.ge [sflag:s5], $0x2000;
	s12 =	simm.s32 @!p0 $0x0  }
0x2f: {  	[sflag:s5] =	ssyncset.done $0x0;
	s13 =	sshll.u32 s12, $0xD  }
0x30: {  	[sflag:s5] =	ssyncadd.s32 $0xFFFFE000;
	s16 =	sor.u32 $0x20, s13  }
0x31: {  	s12 =	smul.u32 $0x8100, s12;
	v3 =	vld [tilespmem:s16+$0x10]  }
0x32: {  	s30 =	sand.u32 $0x1, s10;
	v2 =	vld [tilespmem:s16+$0xFFFFFFF0]  }
0x33: {  	s13 =	smul.u32 $0x8100, s30;
	s12 =	sshrl.u32 s12, $0x2;
	v0 =	vld [tilespmem:s16+$0x0]  }
0x34: {  	v1 =	vld [tilespmem:s16+$0xFFFFFFE0];
	s14 =	sor.u32 $0x4000, s12  }
0x35: {  	s31 =	sshrl.u32 s13, $0x2;
	s13 =	sadd.s32 $0x0, s14  }
0x36: {  	s15 =	simm.s32 $0x4;
	s16 =	sadd.s32 $0x40, s16;
	s12 =	sor.u32 $0x4000, s31;
	[tilespmem:s13+$0x1830 ss:$0x81] =	vst.msk $0xffff, v3  }
.LBB1_3:
0x37: {  	v3 =	vld [tilespmem:s16+$0x10];
	p1 =	sne.s32 s15, $0x1FC;
	[tilespmem:s13+$0x810 ss:$0x81] =	vst.msk $0xffff, v2;
	s17 =	smov.u32 s15;
	s15 =	sadd.s32 $0x4, s15  }
.Ltmp3:
0x38: {  	v2 =	vld [tilespmem:s16+$0xFFFFFFF0];
	[tilespmem:s13+$0x1020 ss:$0x81] =	vst.msk $0xffff, v0;
	(pc) =	sbr.rel @p1 .LBB1_3-.Ltmp3, $4  }
0x39: {  	v0 =	vld [tilespmem:s16+$0x0];
	[tilespmem:s13+$0x0 ss:$0x81] =	vst.msk $0xffff, v1  }
0x3a: {  	s13 =	sshra.s32 s17, $0x2;
	v1 =	vld [tilespmem:s16+$0xFFFFFFE0]  }
0x3b: {  	s13 =	sadd.s32 s13, s14  }
0x3c: {  	s16 =	sadd.s32 $0x40, s16;
	[tilespmem:s13+$0x1830 ss:$0x81] =	vst.msk $0xffff, v3  }
.Ltmp4:
0x3d: {  	_ = 	snop;
	(pc) =	sbr.rel .LBB1_4-.Ltmp4, $1  }
0x3e: {  	_ =	sdelay $0x3  }
.LBB1_6:
0x3f: {  	_ =	sfence.sel $0x180000  }
0x40: {  	s2 =	simm.s32 $0x1;
	[bflag:$0x0] =	sbarrier.arrive $0xFFFF  }
0x41: {  	s31 =	simm.s32 $0x2;
	[sflag:s2] =	ssyncpa.u1 $0x1  }
0x42: {  	[sflag:s31] =	ssyncpa.u1 $0x1  }
0x43: {  	p0 =	sne.s32 s0, $0x0;
	_ =	strace $0x9000004A  }
0x44: {  	s0 =	sadd.s32 @!p0 $0x100000, s1;
	[bflag:$0x2] =	sbarrier.arrive $0xFFFF  }
0x45: {  	[sflag:s0] =	ssyncadd.tile.s32 @!p0 $0x1;
	_ =	shalt  }
.Lfunc_end1:
_tile_overlayer_lowered:
.L_overlay_start_2:
0x46: {  	(tag) =	ssettag $0x2  }
0x47: {  	s0 =	rddreg [dreg:$0x0];
	s2 =	stileid.u32  }
0x48: {  	s1 =	rddreg [dreg:$0x1];
	p0 =	sne.s32 s2, $0x0  }
0x49: {  	s3 =	rddreg [dreg:$0x2];
	[bflag:$0x3] =	sbarrier.arrive $0xFFFF;
	s2 =	simm.s32 @!p0 $0x1C01  }
0x4a: {  	[timem:s3], [sflag:s2] =	dma.local @!p0 [hbm:s0], s1  }
0x4b: {  	s0 =	simm.s32 @!p0 $0x1  }
0x4c: {  	_ =	swait.ge @!p0 [sflag:s0], s1  }
0x4d: {  	s1 =	ssub.s32 @!p0 $0x0, s1;
	[sflag:s0] =	ssyncset.done @!p0 $0x0  }
0x4e: {  	[sflag:s0] =	ssyncadd.s32 @!p0 s1  }
0x4f: {  	[bflag:$0x3] =	sbarrier.arrive $0xFFFF  }
0x50: {  	_ =	shalt  }

</sc_bundles>
